<compile_context>
chip_gen: v7x
topology: tpu7x:2x2x1
jax: 0.10.2.dev20260603
libtpu: 0.0.44.dev20260713+nightly
codegen_flags: <defaults>
</compile_context>

<pallas_src>
import functools

import jax
import jax.numpy as jnp
from jax import lax
from jax.experimental import pallas as pl
from jax.experimental.pallas import tpu as pltpu
from jax.experimental.pallas import tpu_sc as plsc

_B, _P, _G, _C = 32, 16800, 16, 2
_TH = 0.35
_NEGPOS = 7
_V0, _V1 = 0.1, 0.2


def _smooth_l1(d):
    ad = jnp.abs(d)
    return jnp.where(ad < 1.0, 0.5 * d * d, ad - 0.5)


def _phase1_body(cls_ref, loc_ref, landm_ref, pri_ref, tgt_ref,
                 v_ref, sums_ref, s_ref):
    G, P = _G, _P

    @pl.when(pl.program_id(0) == 0)
    def _init():
        pri = pri_ref[...]
        pcx, pcy = pri[0:1], pri[1:2]
        pw, ph = pri[2:3], pri[3:4]
        s_ref[0:1] = pcx - pw * 0.5
        s_ref[1:2] = pcy - ph * 0.5
        s_ref[2:3] = pcx + pw * 0.5
        s_ref[3:4] = pcy + ph * 0.5
        s_ref[4:5] = pw * ph
        inv_vw = 1.0 / (_V0 * pw)
        inv_vh = 1.0 / (_V0 * ph)
        s_ref[5:6] = inv_vw
        s_ref[6:7] = inv_vh
        s_ref[7:8] = 1.0 / pw
        s_ref[8:9] = 1.0 / ph
        s_ref[9:19] = jnp.concatenate([pcx, pcy] * 5, axis=0)
        s_ref[19:29] = jnp.concatenate([inv_vw, inv_vh] * 5, axis=0)

    pri = pri_ref[...]
    pcx, pcy = pri[0:1], pri[1:2]
    pw, ph = pri[2:3], pri[3:4]
    px1, py1 = s_ref[0:1], s_ref[1:2]
    px2, py2 = s_ref[2:3], s_ref[3:4]

    tgt = tgt_ref[0]
    tx1, ty1 = tgt[:, 0:1], tgt[:, 1:2]
    tx2, ty2 = tgt[:, 2:3], tgt[:, 3:4]

    iw = jnp.maximum(jnp.minimum(tx2, px2) - jnp.maximum(tx1, px1), 0.0)
    ih = jnp.maximum(jnp.minimum(ty2, py2) - jnp.maximum(ty1, py1), 0.0)
    inter = iw * ih
    area_t = (tx2 - tx1) * (ty2 - ty1)
    ov = inter / (area_t + s_ref[4:5] - inter)

    gi = lax.broadcasted_iota(jnp.int32, (G, P), 0)
    pi = lax.broadcasted_iota(jnp.int32, (G, P), 1)

    bto = jnp.max(ov, axis=0, keepdims=True)
    bti = jnp.min(jnp.where(ov == bto, gi, G), axis=0, keepdims=True)
    bpo = jnp.max(ov, axis=1, keepdims=True)
    bpi = jnp.min(jnp.where(ov == bpo, pi, P), axis=1, keepdims=True)
    valid = bpo >= 0.2

    eqbp = bpi == pi
    genc = jnp.max(jnp.where(eqbp, 2 * gi + valid.astype(jnp.int32), -1),
                   axis=0, keepdims=True)
    has = genc >= 0
    gidx = lax.shift_right_logical(jnp.maximum(genc, 0), 1)
    bto2 = jnp.where(has & (jnp.bitwise_and(genc, 1) == 1), 2.0, bto)
    bti2 = jnp.where(has, gidx, bti)

    onehot = (gi == bti2).astype(jnp.float32)
    m = lax.dot_general(tgt, onehot, (((0,), (0,)), ((), ())),
                        precision=lax.Precision.HIGHEST,
                        preferred_element_type=jnp.float32)

    label = m[14:15]
    conf = jnp.where(bto2 < _TH, 0, label.astype(jnp.int32))
    posf = (conf != 0).astype(jnp.float32)

    mx1, my1, mx2, my2 = m[0:1], m[1:2], m[2:3], m[3:4]
    gcx = ((mx1 + mx2) * 0.5 - pcx) * s_ref[5:6]
    gcy = ((my1 + my2) * 0.5 - pcy) * s_ref[6:7]
    gw = jnp.log((mx2 - mx1) * s_ref[7:8]) * (1.0 / _V1)
    gh = jnp.log((my2 - my1) * s_ref[8:9]) * (1.0 / _V1)
    gloc = jnp.concatenate([gcx, gcy, gw, gh], axis=0)
    loss_l = jnp.sum(_smooth_l1(loc_ref[0] - gloc) * posf)

    glm = (m[4:14] - s_ref[9:19]) * s_ref[19:29]
    loss_lm = jnp.sum(_smooth_l1(landm_ref[0] - glm) * posf)

    cls0, cls1 = cls_ref[0, 0:1], cls_ref[0, 1:2]
    mc = jnp.maximum(cls0, cls1)
    lse = mc + jnp.log(jnp.exp(cls0 - mc) + jnp.exp(cls1 - mc))
    csel = jnp.where(conf == 0, cls0, cls1)
    v = lse - csel

    num_pos = jnp.sum(posf)

    v_ref[0] = jnp.where(conf != 0, -v, v)
    li = lax.broadcasted_iota(jnp.int32, (1, 128), 1)
    sums_ref[0] = jnp.where(
        li == 0, loss_l, jnp.where(li == 1, loss_lm,
                                   jnp.where(li == 2, num_pos, 0.0)))


_L = 16
_CH = _P // _L
_NC = 2


def _mine_body(v_hbm, sums_hbm, out_hbm, vbuf, vbbuf, sbuf, hist, obuf,
               nrows=_B):
    wid = lax.axis_index("s") * _NC + lax.axis_index("c")
    wid = lax.rem(wid, nrows)
    pltpu.sync_copy(v_hbm.at[wid], vbuf)
    pltpu.sync_copy(sums_hbm.at[wid], sbuf)

    k = jnp.minimum(sbuf[pl.ds(0, _L)][2].astype(jnp.int32) * _NEGPOS, _P - 1)

    zeros16 = jnp.zeros((_L,), jnp.int32)
    ones16 = jnp.ones((_L,), jnp.int32)
    lane = lax.iota(jnp.int32, _L)

    def zero_hist(nbins):
        def zb(j, c):
            hist[pl.ds(j * _L, _L)] = zeros16
            return c
        lax.fori_loop(0, nbins // _L, zb, 0)

    def scan_level(nbins, kr):
        nch = nbins // _L

        def st1(jj, c):
            acc, found, j_star, acc_b = c
            j = nch - 1 - jj
            ssum = jnp.sum(hist[pl.ds(j * _L, _L)])
            newacc = acc + ssum
            hit = jnp.logical_and(found == 0, newacc >= kr)
            j_star = jnp.where(hit, j, j_star)
            acc_b = jnp.where(hit, acc, acc_b)
            found = jnp.where(newacc >= kr, 1, found)
            return (newacc, found, j_star, acc_b)

        _, _, j_star, acc_b = lax.fori_loop(0, nch, st1, (0, 0, 0, 0))
        chr_ = lax.rev(hist[pl.ds(j_star * _L, _L)], (0,))
        cum = plsc.cumsum(chr_)
        mask = (acc_b + cum) >= kr
        l_star = jnp.max(plsc.all_reduce_ffs(mask))
        f_star = j_star * _L + (_L - 1) - l_star
        hsel = jnp.sum(jnp.where(lane == l_star, chr_, 0))
        csel = jnp.sum(jnp.where(lane == l_star, cum, 0))
        return f_star, acc_b + csel - hsel

    zero_hist(2048)

    def pa(i, c):
        for u in range(2):
            x = vbuf[pl.ds((2 * i + u) * _L, _L)]
            vb = jnp.bitwise_and(lax.bitcast_convert_type(x, jnp.int32),
                                 0x7FFFFFFF)
            vbbuf[pl.ds((2 * i + u) * _L, _L)] = vb
            plsc.addupdate_scatter(
                hist, [lax.shift_right_logical(vb, 20)], ones16)
        return c
    lax.fori_loop(0, _CH // 2, pa, 0)
    f1, above1 = scan_level(2048, k)

    zero_hist(2048)

    def pb(i, c):
        for u in range(2):
            vb = vbbuf[pl.ds((2 * i + u) * _L, _L)]
            m = lax.shift_right_logical(vb, 20) == f1
            b2 = jnp.bitwise_and(lax.shift_right_logical(vb, 9), 0x7FF)
            plsc.addupdate_scatter(hist, [b2], ones16, mask=m)
        return c
    lax.fori_loop(0, _CH // 2, pb, 0)
    f2, above2 = scan_level(2048, k - above1)
    prefix = jnp.bitwise_or(lax.shift_left(f1, 11), f2)

    zero_hist(512)

    def pc(i, c):
        for u in range(2):
            vb = vbbuf[pl.ds((2 * i + u) * _L, _L)]
            m = lax.shift_right_logical(vb, 9) == prefix
            b3 = jnp.bitwise_and(vb, 0x1FF)
            plsc.addupdate_scatter(hist, [b3], ones16, mask=m)
        return c
    lax.fori_loop(0, _CH // 2, pc, 0)
    f3, cnt_gt = scan_level(512, k - above1 - above2)
    cnt_gt = cnt_gt + above1 + above2
    t = jnp.bitwise_or(lax.shift_left(prefix, 9), f3)
    r = k - cnt_gt

    def pd(i, c):
        accv, tcnt, tnp = c
        for u in range(2):
            sl = pl.ds((2 * i + u) * _L, _L)
            raw = lax.bitcast_convert_type(vbuf[sl], jnp.int32)
            pos = raw < 0
            vb = vbbuf[sl]
            gt = vb > t
            tie = vb == t
            x = lax.bitcast_convert_type(vb, jnp.float32)
            accv = accv + jnp.where(jnp.logical_or(gt, pos), x, 0.0)
            tcnt = tcnt + jnp.where(tie, 1, 0)
            tnp = tnp + jnp.where(jnp.logical_and(tie, jnp.logical_not(pos)),
                                  1, 0)
        return accv, tcnt, tnp

    accv, tcnt, tnp = lax.fori_loop(
        0, _CH // 2, pd, (jnp.zeros((_L,), jnp.float32), zeros16, zeros16))
    m_ties = jnp.sum(tcnt)
    all_tnp = jnp.sum(tnp)

    def pe_loop():
        def pe(i, c):
            base, cnt = c
            vb = vbbuf[pl.ds(i * _L, _L)]
            pos = lax.bitcast_convert_type(vbuf[pl.ds(i * _L, _L)],
                                           jnp.int32) < 0
            ti = jnp.where(vb == t, 1, 0)
            excl = plsc.cumsum(ti) - ti
            seltie = jnp.logical_and(
                jnp.logical_and(ti == 1, base + excl < r),
                jnp.logical_not(pos))
            cnt = cnt + jnp.sum(jnp.where(seltie, 1, 0))
            base = base + jnp.sum(ti)
            return base, cnt
        _, cnt = lax.fori_loop(0, _CH, pe, (0, 0))
        return cnt

    n_tie_nonpos = lax.cond(r == m_ties, lambda: all_tnp, pe_loop)

    tf = jnp.full((_L,), t, jnp.int32)
    tval = lax.bitcast_convert_type(tf, jnp.float32) * n_tie_nonpos.astype(jnp.float32)
    total = jnp.sum(accv) + jnp.max(tval)
    obuf[...] = jnp.full((_L,), total, jnp.float32)
    pltpu.sync_copy(obuf, out_hbm.at[wid])


def _phase1_call(cls_t, loc_t, landm_t, pri_t, tgt, nb):
    P = _P
    return pl.pallas_call(
        _phase1_body,
        grid=(nb,),
        in_specs=[
            pl.BlockSpec((1, _C, P), lambda b: (b, 0, 0)),
            pl.BlockSpec((1, 4, P), lambda b: (b, 0, 0)),
            pl.BlockSpec((1, 10, P), lambda b: (b, 0, 0)),
            pl.BlockSpec((4, P), lambda b: (0, 0)),
            pl.BlockSpec((1, _G, 15), lambda b: (b, 0, 0)),
        ],
        out_specs=[
            pl.BlockSpec((1, 1, P), lambda b: (b, 0, 0)),
            pl.BlockSpec((1, 1, 128), lambda b: (b, 0, 0)),
        ],
        out_shape=[
            jax.ShapeDtypeStruct((nb, 1, P), jnp.float32),
            jax.ShapeDtypeStruct((nb, 1, 128), jnp.float32),
        ],
        scratch_shapes=[pltpu.VMEM((32, P), jnp.float32)],
    )(cls_t, loc_t, landm_t, pri_t, tgt)


def _mine_call(vrows, smrows, nrows):
    mine = pl.kernel(
        functools.partial(_mine_body, nrows=nrows),
        mesh=plsc.VectorSubcoreMesh(core_axis_name="c", subcore_axis_name="s"),
        out_type=jax.ShapeDtypeStruct((nrows, _L), jnp.float32),
        compiler_params=pltpu.CompilerParams(needs_layout_passes=False),
        scratch_types=[
            pltpu.VMEM((_P,), jnp.float32),
            pltpu.VMEM((_P,), jnp.int32),
            pltpu.VMEM((128,), jnp.float32),
            pltpu.VMEM((2048,), jnp.int32),
            pltpu.VMEM((_L,), jnp.float32),
        ],
    )
    return mine(vrows, smrows)


@jax.jit
def kernel(cls_data, loc_data, landm_data, priors, targets):
    B, P = _B, _P
    H = B // 2
    cls_t = jnp.transpose(cls_data, (0, 2, 1))
    loc_t = jnp.transpose(loc_data, (0, 2, 1))
    landm_t = jnp.transpose(landm_data, (0, 2, 1))
    pri_t = jnp.transpose(priors, (1, 0))

    v, sums = _phase1_call(cls_t, loc_t, landm_t, pri_t, targets, B)
    rows = _mine_call(v.reshape(B, P), sums.reshape(B, 128), B)

    sm = sums.reshape(B, 128)
    n = jnp.maximum(jnp.sum(sm[:, 2]), 1.0)
    return (jnp.sum(sm[:, 0]) / n, jnp.sum(rows[:, 0]) / n,
            jnp.sum(sm[:, 1]) / n)

# --- scband reference (transcript-rebuilt; emitter-appended) ---
"""Pipeline reference for scband-multi-box-loss-20169166422345 (READ-ONLY COPY).

The authoritative reference and input builder live on the scoring server;
editing this copy changes nothing except your own understanding.
"""

import jax, jax.numpy as jnp
import numpy as np

B, P, G, C = 32, 16800, 16, 2
THRESHOLD = 0.35
NEGPOS = 7
VARIANCES = (0.1, 0.2)


def setup_inputs(seed: int = 0):
    key = jax.random.key(seed)
    k1, k2, k3, k4, k5, k6 = jax.random.split(key, 6)
    cls_data = jax.random.normal(k1, (B, P, C), dtype=jnp.float32)
    loc_data = jax.random.normal(k2, (B, P, 4), dtype=jnp.float32)
    landm_data = jax.random.normal(k3, (B, P, 10), dtype=jnp.float32)
    # priors in center-size form (cx, cy, w, h), all in [0,1], positive sizes
    cxy = jax.random.uniform(k4, (P, 2), minval=0.05, maxval=0.95)
    pwh = jax.random.uniform(k5, (P, 2), minval=0.02, maxval=0.3)
    priors = jnp.concatenate([cxy, pwh], axis=1).astype(jnp.float32)
    # targets: valid point-form boxes + 10 landmark coords + label=1 (face)
    kc, ks, kl = jax.random.split(k6, 3)
    ctr = jax.random.uniform(kc, (B, G, 2), minval=0.15, maxval=0.85)
    sz = jax.random.uniform(ks, (B, G, 2), minval=0.05, maxval=0.25)
    boxes = jnp.concatenate([ctr - sz / 2, ctr + sz / 2], axis=-1)
    landms = jax.random.uniform(kl, (B, G, 10), minval=0.0, maxval=1.0)
    labels = jnp.ones((B, G, 1), dtype=jnp.float32)
    targets = jnp.concatenate([boxes, landms, labels], axis=-1).astype(jnp.float32)
    return {"cls_data": cls_data, "loc_data": loc_data, "landm_data": landm_data,
            "priors": priors, "targets": targets}


def point_form(pri):
    return jnp.concatenate([pri[:, :2] - pri[:, 2:] / 2, pri[:, :2] + pri[:, 2:] / 2], axis=1)


def intersect(a, b):
    max_xy = jnp.minimum(a[:, None, 2:], b[None, :, 2:])
    min_xy = jnp.maximum(a[:, None, :2], b[None, :, :2])
    inter = jnp.clip(max_xy - min_xy, 0.0, None)
    return inter[..., 0] * inter[..., 1]


def jaccard(a, b):
    inter = intersect(a, b)
    area_a = ((a[:, 2] - a[:, 0]) * (a[:, 3] - a[:, 1]))[:, None]
    area_b = ((b[:, 2] - b[:, 0]) * (b[:, 3] - b[:, 1]))[None, :]
    return inter / (area_a + area_b - inter)


def encode(matched, priors, variances):
    g_cxcy = (matched[:, :2] + matched[:, 2:]) / 2 - priors[:, :2]
    g_cxcy = g_cxcy / (variances[0] * priors[:, 2:])
    g_wh = (matched[:, 2:] - matched[:, :2]) / priors[:, 2:]
    g_wh = jnp.log(g_wh) / variances[1]
    return jnp.concatenate([g_cxcy, g_wh], axis=1)


def encode_landm(matched, priors, variances):
    m = matched.reshape(-1, 5, 2)
    pc = priors[:, None, :2]
    pw = priors[:, None, 2:]
    g = (m - pc) / (variances[0] * pw)
    return g.reshape(-1, 10)


def match_one(truths, labels, landms, priors):
    overlaps = jaccard(truths, point_form(priors))  # [G, P]
    best_prior_overlap = overlaps.max(axis=1)       # [G]
    best_prior_idx = overlaps.argmax(axis=1)        # [G]
    valid_gt = best_prior_overlap >= 0.2
    best_truth_overlap = overlaps.max(axis=0)       # [P]
    best_truth_idx = overlaps.argmax(axis=0)        # [P]
    # index_fill_(0, best_prior_idx_filter, 2) -- only for valid GT
    cur = best_truth_overlap[best_prior_idx]
    best_truth_overlap = best_truth_overlap.at[best_prior_idx].set(
        jnp.where(valid_gt, 2.0, cur))
    # ensure every gt's best prior points back to that gt
    best_truth_idx = best_truth_idx.at[best_prior_idx].set(
        jnp.arange(truths.shape[0], dtype=best_truth_idx.dtype))
    matches = truths[best_truth_idx]
    conf = labels[best_truth_idx].astype(jnp.int32)
    conf = jnp.where(best_truth_overlap < THRESHOLD, 0, conf)
    loc = encode(matches, priors, VARIANCES)
    landm = encode_landm(landms[best_truth_idx], priors, VARIANCES)
    return loc, conf, landm


def _smooth_l1_sum(p, t, mask):
    d = p - t
    ad = jnp.abs(d)
    l = jnp.where(ad < 1.0, 0.5 * d * d, ad - 0.5)
    return jnp.sum(l * mask)


def _forward(cls_data, loc_data, landm_data, priors, targets):
    num = loc_data.shape[0]

    def per_image(t):
        return match_one(t[:, :4], t[:, -1], t[:, 4:14], priors)

    loc_t, conf_t, landm_t = jax.vmap(per_image)(targets)
    pos1 = conf_t > 0
    num_pos_landm = pos1.astype(jnp.int32).sum(axis=1, keepdims=True)
    N1 = jnp.maximum(num_pos_landm.sum().astype(jnp.float32), 1.0)
    loss_landm = _smooth_l1_sum(landm_data, landm_t, pos1[..., None].astype(landm_data.dtype))

    pos = conf_t != 0
    loss_l = _smooth_l1_sum(loc_data, loc_t, pos[..., None].astype(loc_data.dtype))

    logp = jax.nn.log_softmax(cls_data.reshape(-1, C), axis=-1)
    loss_c_all = -jnp.take_along_axis(logp, conf_t.reshape(-1)[:, None], axis=-1)[:, 0]
    loss_c_all = loss_c_all.reshape(num, -1)
    loss_idx = jnp.argsort(-loss_c_all, axis=1)   # descending sort indices
    idx_rank = jnp.argsort(loss_idx, axis=1)
    num_pos = pos.astype(jnp.int32).sum(axis=1, keepdims=True)
    num_neg = jnp.minimum(NEGPOS * num_pos, pos.shape[1] - 1)
    neg = idx_rank < num_neg
    sel = jnp.logical_or(pos, neg)
    loss_c = jnp.sum(loss_c_all * sel.astype(loss_c_all.dtype))

    N = jnp.maximum(num_pos.sum().astype(jnp.float32), 1.0)
    return loss_l / N, loss_c / N, loss_landm / N1


def reference(cls_data, loc_data, landm_data, priors, targets):
    return _forward(cls_data, loc_data, landm_data, priors, targets)

if __name__ == "__main__":
    import jax
    _d = setup_inputs()
    print(jax.jit(kernel)(*tuple(_d.values())))

</pallas_src>

<mosaic_0001>
#map = affine_map<(d0, d1) -> (0, 0)>
module attributes {stable_mosaic.version = 14 : i64} {
  func.func @_mine_body(%arg0: i32, %arg1: i32, %arg2: memref<32x16800xf32, #tpu.memory_space<hbm>>, %arg3: memref<32x128xf32, #tpu.memory_space<hbm>>, %arg4: memref<32x16xf32, #tpu.memory_space<hbm>>, %arg5: memref<16800xf32, #tpu.memory_space<vmem>>, %arg6: memref<16800xi32, #tpu.memory_space<vmem>>, %arg7: memref<128xf32, #tpu.memory_space<vmem>>, %arg8: memref<2048xi32, #tpu.memory_space<vmem>>, %arg9: memref<16xf32, #tpu.memory_space<vmem>>) attributes {dimension_semantics = [#tpu.dimension_semantics<core_parallel>, #tpu.dimension_semantics<subcore_parallel>], iteration_bounds = array<i64: 2, 16>, scalar_prefetch = 0 : i64, scratch_operands = 5 : i64, tpu.core_type = #tpu.core_type<sc_vector_subcore>, window_params = [{transform_indices = #map}, {transform_indices = #map}, {transform_indices = #map}]} {
    %mul3A = arith.constant 2 : i32
    %mul3A_0 = arith.muli %arg1, %mul3A : i32
    %add3A = arith.addi %mul3A_0, %arg0 : i32
    %rem3A = arith.constant 32 : i32
    %rem3A_1 = arith.remsi %add3A, %rem3A : i32
    "tpu.region"() ({
      %run_scoped3A = tpu.sem_alloc : memref<!tpu.dma_semaphore, #tpu.memory_space<semaphore_mem>>
      %dma_start3A = arith.constant 0 : i32
      %dma_start3A_259 = tpu.memref_slice %arg2[%rem3A_1, %dma_start3A] : memref<32x16800xf32, #tpu.memory_space<hbm>> -> memref<1x16800xf32, #tpu.memory_space<hbm>>
      %dma_start3A_260 = tpu.memref_squeeze %dma_start3A_259 : memref<1x16800xf32, #tpu.memory_space<hbm>> -> memref<16800xf32, #tpu.memory_space<hbm>>
      %dma_start3A_261 = arith.constant 0 : i32
      %dma_start3A_262 = tpu.memref_slice %arg2[%rem3A_1, %dma_start3A_261] : memref<32x16800xf32, #tpu.memory_space<hbm>> -> memref<1x16800xf32, #tpu.memory_space<hbm>>
      %dma_start3A_263 = tpu.memref_squeeze %dma_start3A_262 : memref<1x16800xf32, #tpu.memory_space<hbm>> -> memref<16800xf32, #tpu.memory_space<hbm>>
      tpu.enqueue_dma source(%dma_start3A_263 : memref<16800xf32, #tpu.memory_space<hbm>>) target(%arg5 : memref<16800xf32, #tpu.memory_space<vmem>>) target_semaphore(%run_scoped3A : memref<!tpu.dma_semaphore, #tpu.memory_space<semaphore_mem>>)
      %dma_wait3A = arith.constant 0 : i32
      %dma_wait3A_264 = tpu.memref_slice %arg2[%rem3A_1, %dma_wait3A] : memref<32x16800xf32, #tpu.memory_space<hbm>> -> memref<1x16800xf32, #tpu.memory_space<hbm>>
      %dma_wait3A_265 = tpu.memref_squeeze %dma_wait3A_264 : memref<1x16800xf32, #tpu.memory_space<hbm>> -> memref<16800xf32, #tpu.memory_space<hbm>>
      %dma_wait3A_266 = arith.constant 0 : i32
      %dma_wait3A_267 = tpu.memref_slice %arg2[%rem3A_1, %dma_wait3A_266] : memref<32x16800xf32, #tpu.memory_space<hbm>> -> memref<1x16800xf32, #tpu.memory_space<hbm>>
      %dma_wait3A_268 = tpu.memref_squeeze %dma_wait3A_267 : memref<1x16800xf32, #tpu.memory_space<hbm>> -> memref<16800xf32, #tpu.memory_space<hbm>>
      tpu.wait_dma2 semaphore(%run_scoped3A : memref<!tpu.dma_semaphore, #tpu.memory_space<semaphore_mem>>) src(%dma_wait3A_268 : memref<16800xf32, #tpu.memory_space<hbm>>) dst(%arg5 : memref<16800xf32, #tpu.memory_space<vmem>>)
      tpu.yield
    }) : () -> ()
    "tpu.region"() ({
      %run_scoped3A = tpu.sem_alloc : memref<!tpu.dma_semaphore, #tpu.memory_space<semaphore_mem>>
      %dma_start3A = arith.constant 0 : i32
      %dma_start3A_259 = tpu.memref_slice %arg3[%rem3A_1, %dma_start3A] : memref<32x128xf32, #tpu.memory_space<hbm>> -> memref<1x128xf32, #tpu.memory_space<hbm>>
      %dma_start3A_260 = tpu.memref_squeeze %dma_start3A_259 : memref<1x128xf32, #tpu.memory_space<hbm>> -> memref<128xf32, #tpu.memory_space<hbm>>
      %dma_start3A_261 = arith.constant 0 : i32
      %dma_start3A_262 = tpu.memref_slice %arg3[%rem3A_1, %dma_start3A_261] : memref<32x128xf32, #tpu.memory_space<hbm>> -> memref<1x128xf32, #tpu.memory_space<hbm>>
      %dma_start3A_263 = tpu.memref_squeeze %dma_start3A_262 : memref<1x128xf32, #tpu.memory_space<hbm>> -> memref<128xf32, #tpu.memory_space<hbm>>
      tpu.enqueue_dma source(%dma_start3A_263 : memref<128xf32, #tpu.memory_space<hbm>>) target(%arg7 : memref<128xf32, #tpu.memory_space<vmem>>) target_semaphore(%run_scoped3A : memref<!tpu.dma_semaphore, #tpu.memory_space<semaphore_mem>>)
      %dma_wait3A = arith.constant 0 : i32
      %dma_wait3A_264 = tpu.memref_slice %arg3[%rem3A_1, %dma_wait3A] : memref<32x128xf32, #tpu.memory_space<hbm>> -> memref<1x128xf32, #tpu.memory_space<hbm>>
      %dma_wait3A_265 = tpu.memref_squeeze %dma_wait3A_264 : memref<1x128xf32, #tpu.memory_space<hbm>> -> memref<128xf32, #tpu.memory_space<hbm>>
      %dma_wait3A_266 = arith.constant 0 : i32
      %dma_wait3A_267 = tpu.memref_slice %arg3[%rem3A_1, %dma_wait3A_266] : memref<32x128xf32, #tpu.memory_space<hbm>> -> memref<1x128xf32, #tpu.memory_space<hbm>>
      %dma_wait3A_268 = tpu.memref_squeeze %dma_wait3A_267 : memref<1x128xf32, #tpu.memory_space<hbm>> -> memref<128xf32, #tpu.memory_space<hbm>>
      tpu.wait_dma2 semaphore(%run_scoped3A : memref<!tpu.dma_semaphore, #tpu.memory_space<semaphore_mem>>) src(%dma_wait3A_268 : memref<128xf32, #tpu.memory_space<hbm>>) dst(%arg7 : memref<128xf32, #tpu.memory_space<vmem>>)
      tpu.yield
    }) : () -> ()
    %get3A = arith.constant 0 : index
    %get3A_2 = tpu.vector_load %arg7[%get3A] {strides = array<i32>} : memref<128xf32, #tpu.memory_space<vmem>>, vector<16xf32>,
    %slice3A = vector.extract_strided_slice %get3A_2 {offsets = [2], sizes = [1], strides = [1]} : vector<16xf32> to vector<1xf32>
    %squeeze3A = vector.extract %slice3A[0] : f32 from vector<1xf32>
    %convert_element_type3A = arith.fptosi %squeeze3A : f32 to i32
    %mul3A_3 = arith.constant 7 : i32
    %mul3A_4 = arith.muli %convert_element_type3A, %mul3A_3 : i32
    %min3A = arith.constant 16799 : i32
    %min3A_5 = arith.minsi %mul3A_4, %min3A : i32
    %broadcast_in_dim3A = arith.constant 0 : i32
    %broadcast_in_dim3A_6 = vector.broadcast %broadcast_in_dim3A : i32 to vector<16xi32>
    %broadcast_in_dim3A_7 = arith.constant 1 : i32
    %broadcast_in_dim3A_8 = vector.broadcast %broadcast_in_dim3A_7 : i32 to vector<16xi32>
    %iota3A = tpu.iota {dimensions = array<i32: 0>} : vector<16xi32>
    %scan3A = arith.constant 0 : i32
    %scan3A_9 = arith.constant 0 : i32
    %scan3A_10 = arith.constant 128 : i32
    %scan3A_11 = arith.addi %scan3A_9, %scan3A_10 : i32
    %scan3A_12 = arith.constant 1 : i32
    scf.for %scan3A_259 = %scan3A_9 to %scan3A_11 step %scan3A_12  : i32 {
      %mul3A_260 = arith.constant 16 : i32
      %mul3A_261 = arith.muli %scan3A_259, %mul3A_260 : i32
      %swap3A_262 = arith.index_cast %mul3A_261 : i32 to index
      %swap3A_263 = tpu.vector_load %arg8[%swap3A_262] {strides = array<i32>} : memref<2048xi32, #tpu.memory_space<vmem>>, vector<16xi32>,
      tpu.vector_store %arg8[%swap3A_262], %broadcast_in_dim3A_6 {strides = array<i32>} : memref<2048xi32, #tpu.memory_space<vmem>>, vector<16xi32>,
    }
    %scan3A_13 = arith.constant 128 : i32
    %scan3A_14 = arith.constant 0 : i32
    %scan3A_15 = arith.constant 0 : i32
    %scan3A_16 = arith.constant 525 : i32
    %scan3A_17 = arith.addi %scan3A_15, %scan3A_16 : i32
    %scan3A_18 = arith.constant 1 : i32
    scf.for %scan3A_259 = %scan3A_15 to %scan3A_17 step %scan3A_18  : i32 {
      %mul3A_260 = arith.constant 2 : i32
      %mul3A_261 = arith.muli %mul3A_260, %scan3A_259 : i32
      %add3A_262 = arith.constant 0 : i32
      %add3A_263 = arith.addi %mul3A_261, %add3A_262 : i32
      %mul3A_264 = arith.constant 16 : i32
      %mul3A_265 = arith.muli %add3A_263, %mul3A_264 : i32
      %get3A_266 = arith.index_cast %mul3A_265 : i32 to index
      %get3A_267 = tpu.vector_load %arg5[%get3A_266] {strides = array<i32>} : memref<16800xf32, #tpu.memory_space<vmem>>, vector<16xf32>,
      %bitcast_convert_type3A_268 = tpu.bitcast %get3A_267 : vector<16xf32> -> vector<16xi32>
      %and3A = arith.constant 2147483647 : i32
      %and3A_269 = vector.broadcast %and3A : i32 to vector<16xi32>
      %and3A_270 = arith.andi %bitcast_convert_type3A_268, %and3A_269 : vector<16xi32>
      %mul3A_271 = arith.constant 2 : i32
      %mul3A_272 = arith.muli %mul3A_271, %scan3A_259 : i32
      %add3A_273 = arith.constant 0 : i32
      %add3A_274 = arith.addi %mul3A_272, %add3A_273 : i32
      %mul3A_275 = arith.constant 16 : i32
      %mul3A_276 = arith.muli %add3A_274, %mul3A_275 : i32
      %swap3A_277 = arith.index_cast %mul3A_276 : i32 to index
      %swap3A_278 = tpu.vector_load %arg6[%swap3A_277] {strides = array<i32>} : memref<16800xi32, #tpu.memory_space<vmem>>, vector<16xi32>,
      tpu.vector_store %arg6[%swap3A_277], %and3A_270 {strides = array<i32>} : memref<16800xi32, #tpu.memory_space<vmem>>, vector<16xi32>,
      %shift_right_logical3A = arith.constant 20 : i32
      %shift_right_logical3A_279 = vector.broadcast %shift_right_logical3A : i32 to vector<16xi32>
      %shift_right_logical3A_280 = arith.shrui %and3A_270, %shift_right_logical3A_279 : vector<16xi32>
      tpu.vector_store_idx %arg8[%shift_right_logical3A_280], %broadcast_in_dim3A_8 {add = true} : memref<2048xi32, #tpu.memory_space<vmem>>[vector<16xi32>], vector<16xi32>,
      %mul3A_281 = arith.constant 2 : i32
      %mul3A_282 = arith.muli %mul3A_281, %scan3A_259 : i32
      %add3A_283 = arith.constant 1 : i32
      %add3A_284 = arith.addi %mul3A_282, %add3A_283 : i32
      %mul3A_285 = arith.constant 16 : i32
      %mul3A_286 = arith.muli %add3A_284, %mul3A_285 : i32
      %get3A_287 = arith.index_cast %mul3A_286 : i32 to index
      %get3A_288 = tpu.vector_load %arg5[%get3A_287] {strides = array<i32>} : memref<16800xf32, #tpu.memory_space<vmem>>, vector<16xf32>,
      %bitcast_convert_type3A_289 = tpu.bitcast %get3A_288 : vector<16xf32> -> vector<16xi32>
      %and3A_290 = arith.constant 2147483647 : i32
      %and3A_291 = vector.broadcast %and3A_290 : i32 to vector<16xi32>
      %and3A_292 = arith.andi %bitcast_convert_type3A_289, %and3A_291 : vector<16xi32>
      %mul3A_293 = arith.constant 2 : i32
      %mul3A_294 = arith.muli %mul3A_293, %scan3A_259 : i32
      %add3A_295 = arith.constant 1 : i32
      %add3A_296 = arith.addi %mul3A_294, %add3A_295 : i32
      %mul3A_297 = arith.constant 16 : i32
      %mul3A_298 = arith.muli %add3A_296, %mul3A_297 : i32
      %swap3A_299 = arith.index_cast %mul3A_298 : i32 to index
      %swap3A_300 = tpu.vector_load %arg6[%swap3A_299] {strides = array<i32>} : memref<16800xi32, #tpu.memory_space<vmem>>, vector<16xi32>,
      tpu.vector_store %arg6[%swap3A_299], %and3A_292 {strides = array<i32>} : memref<16800xi32, #tpu.memory_space<vmem>>, vector<16xi32>,
      %shift_right_logical3A_301 = arith.constant 20 : i32
      %shift_right_logical3A_302 = vector.broadcast %shift_right_logical3A_301 : i32 to vector<16xi32>
      %shift_right_logical3A_303 = arith.shrui %and3A_292, %shift_right_logical3A_302 : vector<16xi32>
      tpu.vector_store_idx %arg8[%shift_right_logical3A_303], %broadcast_in_dim3A_8 {add = true} : memref<2048xi32, #tpu.memory_space<vmem>>[vector<16xi32>], vector<16xi32>,
    }
    %scan3A_19 = arith.constant 525 : i32
    %scan3A_20 = arith.constant 0 : i32
    %scan3A_21 = arith.constant 0 : i32
    %scan3A_22 = arith.constant 0 : i32
    %scan3A_23 = arith.constant 0 : i32
    %scan3A_24 = arith.constant 0 : i32
    %scan3A_25 = arith.constant 128 : i32
    %scan3A_26 = arith.addi %scan3A_24, %scan3A_25 : i32
    %scan3A_27 = arith.constant 1 : i32
    %scan3A_28:4 = scf.for %scan3A_259 = %scan3A_24 to %scan3A_26 step %scan3A_27 iter_args(%scan3A_260 = %scan3A_20, %scan3A_261 = %scan3A_21, %scan3A_262 = %scan3A_22, %scan3A_263 = %scan3A_23) -> (i32, i32, i32, i32)  : i32 {
      %sub3A_264 = arith.constant 127 : i32
      %sub3A_265 = arith.subi %sub3A_264, %scan3A_259 : i32
      %mul3A_266 = arith.constant 16 : i32
      %mul3A_267 = arith.muli %sub3A_265, %mul3A_266 : i32
      %get3A_268 = arith.index_cast %mul3A_267 : i32 to index
      %get3A_269 = tpu.vector_load %arg8[%get3A_268] {strides = array<i32>} : memref<2048xi32, #tpu.memory_space<vmem>>, vector<16xi32>,
      %reduce_sum3A_270 = arith.constant true
      %reduce_sum3A_271 = vector.broadcast %reduce_sum3A_270 : i1 to vector<16xi1>
      %reduce_sum3A_272 = tpu.scan <sum>, %get3A_269 masked %reduce_sum3A_271 : vector<16xi32>, vector<16xi1> -> vector<16xi32>
      %reduce_sum3A_273 = vector.extract %reduce_sum3A_272[15] : i32 from vector<16xi32>
      %add3A_274 = arith.addi %scan3A_260, %reduce_sum3A_273 : i32
      %eq3A_275 = arith.constant 0 : i32
      %eq3A_276 = arith.cmpi eq, %scan3A_261, %eq3A_275 : i32
      %ge3A_277 = arith.cmpi sge, %add3A_274, %min3A_5 : i32
      %and3A = arith.andi %eq3A_276, %ge3A_277 : i1
      %select_n3A_278 = arith.select %and3A, %sub3A_265, %scan3A_262 : i32
      %select_n3A_279 = arith.select %and3A, %scan3A_260, %scan3A_263 : i32
      %ge3A_280 = arith.cmpi sge, %add3A_274, %min3A_5 : i32
      %jit3A_281 = arith.constant 1 : i32
      %select_n3A_282 = arith.select %ge3A_280, %jit3A_281, %scan3A_261 : i32
      scf.yield %add3A_274, %select_n3A_282, %select_n3A_278, %select_n3A_279 : i32, i32, i32, i32
    }
    %scan3A_29 = arith.constant 128 : i32
    %mul3A_30 = arith.constant 16 : i32
    %mul3A_31 = arith.muli %scan3A_28#2, %mul3A_30 : i32
    %get3A_32 = arith.index_cast %mul3A_31 : i32 to index
    %get3A_33 = tpu.vector_load %arg8[%get3A_32] {strides = array<i32>} : memref<2048xi32, #tpu.memory_space<vmem>>, vector<16xi32>,
    %rev3A = arith.constant 15 : i32
    %rev3A_34 = vector.broadcast %rev3A : i32 to vector<16xi32>
    %rev3A_35 = tpu.iota {dimensions = array<i32: 0>} : vector<16xi32>
    %rev3A_36 = arith.subi %rev3A_34, %rev3A_35 : vector<16xi32>
    %rev3A_37 = tpu.dynamic_gather %get3A_33[%rev3A_36] in [0] : vector<16xi32>, vector<16xi32> -> vector<16xi32>
    %broadcast_in_dim3A_38 = arith.constant true
    %broadcast_in_dim3A_39 = vector.broadcast %broadcast_in_dim3A_38 : i1 to vector<16xi1>
    %masked_cumsum3A = tpu.scan <sum>, %rev3A_37 masked %broadcast_in_dim3A_39 : vector<16xi32>, vector<16xi1> -> vector<16xi32>
    %add3A_40 = vector.broadcast %scan3A_28#3 : i32 to vector<16xi32>
    %add3A_41 = arith.addi %add3A_40, %masked_cumsum3A : vector<16xi32>
    %ge3A = vector.broadcast %min3A_5 : i32 to vector<16xi32>
    %ge3A_42 = arith.cmpi sge, %add3A_41, %ge3A : vector<16xi32>
    %all_reduce_ffs3A = tpu.all_reduce %ge3A_42 {dim = 0 : i64, kind = #tpu.reduction_kind<find_first_set>} : vector<16xi1> -> vector<16xi32>
    %reduce_max3A = arith.constant true
    %reduce_max3A_43 = vector.broadcast %reduce_max3A : i1 to vector<16xi1>
    %reduce_max3A_44 = arith.constant -2147483648 : i32
    %reduce_max3A_45 = vector.broadcast %reduce_max3A_44 : i32 to vector<16xi32>
    %reduce_max3A_46 = arith.xori %all_reduce_ffs3A, %reduce_max3A_45 : vector<16xi32>
    %reduce_max3A_47 = tpu.scan <max>, %reduce_max3A_46 masked %reduce_max3A_43 : vector<16xi32>, vector<16xi1> -> vector<16xi32>
    %reduce_max3A_48 = arith.xori %reduce_max3A_47, %reduce_max3A_45 : vector<16xi32>
    %reduce_max3A_49 = vector.extract %reduce_max3A_48[15] : i32 from vector<16xi32>
    %mul3A_50 = arith.constant 16 : i32
    %mul3A_51 = arith.muli %scan3A_28#2, %mul3A_50 : i32
    %add3A_52 = arith.constant 15 : i32
    %add3A_53 = arith.addi %mul3A_51, %add3A_52 : i32
    %sub3A = arith.subi %add3A_53, %reduce_max3A_49 : i32
    %eq3A = vector.broadcast %reduce_max3A_49 : i32 to vector<16xi32>
    %eq3A_54 = arith.cmpi eq, %iota3A, %eq3A : vector<16xi32>
    %jit3A = arith.constant 0 : i32
    %broadcast_in_dim3A_55 = vector.broadcast %jit3A : i32 to vector<16xi32>
    %select_n3A = arith.select %eq3A_54, %rev3A_37, %broadcast_in_dim3A_55 : vector<16xi1>, vector<16xi32>
    %reduce_sum3A = arith.constant true
    %reduce_sum3A_56 = vector.broadcast %reduce_sum3A : i1 to vector<16xi1>
    %reduce_sum3A_57 = tpu.scan <sum>, %select_n3A masked %reduce_sum3A_56 : vector<16xi32>, vector<16xi1> -> vector<16xi32>
    %reduce_sum3A_58 = vector.extract %reduce_sum3A_57[15] : i32 from vector<16xi32>
    %eq3A_59 = vector.broadcast %reduce_max3A_49 : i32 to vector<16xi32>
    %eq3A_60 = arith.cmpi eq, %iota3A, %eq3A_59 : vector<16xi32>
    %jit3A_61 = arith.constant 0 : i32
    %broadcast_in_dim3A_62 = vector.broadcast %jit3A_61 : i32 to vector<16xi32>
    %select_n3A_63 = arith.select %eq3A_60, %masked_cumsum3A, %broadcast_in_dim3A_62 : vector<16xi1>, vector<16xi32>
    %reduce_sum3A_64 = arith.constant true
    %reduce_sum3A_65 = vector.broadcast %reduce_sum3A_64 : i1 to vector<16xi1>
    %reduce_sum3A_66 = tpu.scan <sum>, %select_n3A_63 masked %reduce_sum3A_65 : vector<16xi32>, vector<16xi1> -> vector<16xi32>
    %reduce_sum3A_67 = vector.extract %reduce_sum3A_66[15] : i32 from vector<16xi32>
    %add3A_68 = arith.addi %scan3A_28#3, %reduce_sum3A_67 : i32
    %sub3A_69 = arith.subi %add3A_68, %reduce_sum3A_58 : i32
    %scan3A_70 = arith.constant 0 : i32
    %scan3A_71 = arith.constant 0 : i32
    %scan3A_72 = arith.constant 128 : i32
    %scan3A_73 = arith.addi %scan3A_71, %scan3A_72 : i32
    %scan3A_74 = arith.constant 1 : i32
    scf.for %scan3A_259 = %scan3A_71 to %scan3A_73 step %scan3A_74  : i32 {
      %mul3A_260 = arith.constant 16 : i32
      %mul3A_261 = arith.muli %scan3A_259, %mul3A_260 : i32
      %swap3A_262 = arith.index_cast %mul3A_261 : i32 to index
      %swap3A_263 = tpu.vector_load %arg8[%swap3A_262] {strides = array<i32>} : memref<2048xi32, #tpu.memory_space<vmem>>, vector<16xi32>,
      tpu.vector_store %arg8[%swap3A_262], %broadcast_in_dim3A_6 {strides = array<i32>} : memref<2048xi32, #tpu.memory_space<vmem>>, vector<16xi32>,
    }
    %scan3A_75 = arith.constant 128 : i32
    %scan3A_76 = arith.constant 0 : i32
    %scan3A_77 = arith.constant 0 : i32
    %scan3A_78 = arith.constant 525 : i32
    %scan3A_79 = arith.addi %scan3A_77, %scan3A_78 : i32
    %scan3A_80 = arith.constant 1 : i32
    scf.for %scan3A_259 = %scan3A_77 to %scan3A_79 step %scan3A_80  : i32 {
      %mul3A_260 = arith.constant 2 : i32
      %mul3A_261 = arith.muli %mul3A_260, %scan3A_259 : i32
      %add3A_262 = arith.constant 0 : i32
      %add3A_263 = arith.addi %mul3A_261, %add3A_262 : i32
      %mul3A_264 = arith.constant 16 : i32
      %mul3A_265 = arith.muli %add3A_263, %mul3A_264 : i32
      %get3A_266 = arith.index_cast %mul3A_265 : i32 to index
      %get3A_267 = tpu.vector_load %arg6[%get3A_266] {strides = array<i32>} : memref<16800xi32, #tpu.memory_space<vmem>>, vector<16xi32>,
      %shift_right_logical3A = arith.constant 20 : i32
      %shift_right_logical3A_268 = vector.broadcast %shift_right_logical3A : i32 to vector<16xi32>
      %shift_right_logical3A_269 = arith.shrui %get3A_267, %shift_right_logical3A_268 : vector<16xi32>
      %eq3A_270 = vector.broadcast %sub3A : i32 to vector<16xi32>
      %eq3A_271 = arith.cmpi eq, %shift_right_logical3A_269, %eq3A_270 : vector<16xi32>
      %shift_right_logical3A_272 = arith.constant 9 : i32
      %shift_right_logical3A_273 = vector.broadcast %shift_right_logical3A_272 : i32 to vector<16xi32>
      %shift_right_logical3A_274 = arith.shrui %get3A_267, %shift_right_logical3A_273 : vector<16xi32>
      %and3A = arith.constant 2047 : i32
      %and3A_275 = vector.broadcast %and3A : i32 to vector<16xi32>
      %and3A_276 = arith.andi %shift_right_logical3A_274, %and3A_275 : vector<16xi32>
      tpu.vector_store_idx %arg8[%and3A_276], %broadcast_in_dim3A_8 masked %eq3A_271 {add = true} : memref<2048xi32, #tpu.memory_space<vmem>>[vector<16xi32>], vector<16xi32>, vector<16xi1>
      %mul3A_277 = arith.constant 2 : i32
      %mul3A_278 = arith.muli %mul3A_277, %scan3A_259 : i32
      %add3A_279 = arith.constant 1 : i32
      %add3A_280 = arith.addi %mul3A_278, %add3A_279 : i32
      %mul3A_281 = arith.constant 16 : i32
      %mul3A_282 = arith.muli %add3A_280, %mul3A_281 : i32
      %get3A_283 = arith.index_cast %mul3A_282 : i32 to index
      %get3A_284 = tpu.vector_load %arg6[%get3A_283] {strides = array<i32>} : memref<16800xi32, #tpu.memory_space<vmem>>, vector<16xi32>,
      %shift_right_logical3A_285 = arith.constant 20 : i32
      %shift_right_logical3A_286 = vector.broadcast %shift_right_logical3A_285 : i32 to vector<16xi32>
      %shift_right_logical3A_287 = arith.shrui %get3A_284, %shift_right_logical3A_286 : vector<16xi32>
      %eq3A_288 = vector.broadcast %sub3A : i32 to vector<16xi32>
      %eq3A_289 = arith.cmpi eq, %shift_right_logical3A_287, %eq3A_288 : vector<16xi32>
      %shift_right_logical3A_290 = arith.constant 9 : i32
      %shift_right_logical3A_291 = vector.broadcast %shift_right_logical3A_290 : i32 to vector<16xi32>
      %shift_right_logical3A_292 = arith.shrui %get3A_284, %shift_right_logical3A_291 : vector<16xi32>
      %and3A_293 = arith.constant 2047 : i32
      %and3A_294 = vector.broadcast %and3A_293 : i32 to vector<16xi32>
      %and3A_295 = arith.andi %shift_right_logical3A_292, %and3A_294 : vector<16xi32>
      tpu.vector_store_idx %arg8[%and3A_295], %broadcast_in_dim3A_8 masked %eq3A_289 {add = true} : memref<2048xi32, #tpu.memory_space<vmem>>[vector<16xi32>], vector<16xi32>, vector<16xi1>
    }
    %scan3A_81 = arith.constant 525 : i32
    %sub3A_82 = arith.subi %min3A_5, %sub3A_69 : i32
    %scan3A_83 = arith.constant 0 : i32
    %scan3A_84 = arith.constant 0 : i32
    %scan3A_85 = arith.constant 0 : i32
    %scan3A_86 = arith.constant 0 : i32
    %scan3A_87 = arith.constant 0 : i32
    %scan3A_88 = arith.constant 128 : i32
    %scan3A_89 = arith.addi %scan3A_87, %scan3A_88 : i32
    %scan3A_90 = arith.constant 1 : i32
    %scan3A_91:4 = scf.for %scan3A_259 = %scan3A_87 to %scan3A_89 step %scan3A_90 iter_args(%scan3A_260 = %scan3A_83, %scan3A_261 = %scan3A_84, %scan3A_262 = %scan3A_85, %scan3A_263 = %scan3A_86) -> (i32, i32, i32, i32)  : i32 {
      %sub3A_264 = arith.constant 127 : i32
      %sub3A_265 = arith.subi %sub3A_264, %scan3A_259 : i32
      %mul3A_266 = arith.constant 16 : i32
      %mul3A_267 = arith.muli %sub3A_265, %mul3A_266 : i32
      %get3A_268 = arith.index_cast %mul3A_267 : i32 to index
      %get3A_269 = tpu.vector_load %arg8[%get3A_268] {strides = array<i32>} : memref<2048xi32, #tpu.memory_space<vmem>>, vector<16xi32>,
      %reduce_sum3A_270 = arith.constant true
      %reduce_sum3A_271 = vector.broadcast %reduce_sum3A_270 : i1 to vector<16xi1>
      %reduce_sum3A_272 = tpu.scan <sum>, %get3A_269 masked %reduce_sum3A_271 : vector<16xi32>, vector<16xi1> -> vector<16xi32>
      %reduce_sum3A_273 = vector.extract %reduce_sum3A_272[15] : i32 from vector<16xi32>
      %add3A_274 = arith.addi %scan3A_260, %reduce_sum3A_273 : i32
      %eq3A_275 = arith.constant 0 : i32
      %eq3A_276 = arith.cmpi eq, %scan3A_261, %eq3A_275 : i32
      %ge3A_277 = arith.cmpi sge, %add3A_274, %sub3A_82 : i32
      %and3A = arith.andi %eq3A_276, %ge3A_277 : i1
      %select_n3A_278 = arith.select %and3A, %sub3A_265, %scan3A_262 : i32
      %select_n3A_279 = arith.select %and3A, %scan3A_260, %scan3A_263 : i32
      %ge3A_280 = arith.cmpi sge, %add3A_274, %sub3A_82 : i32
      %jit3A_281 = arith.constant 1 : i32
      %select_n3A_282 = arith.select %ge3A_280, %jit3A_281, %scan3A_261 : i32
      scf.yield %add3A_274, %select_n3A_282, %select_n3A_278, %select_n3A_279 : i32, i32, i32, i32
    }
    %scan3A_92 = arith.constant 128 : i32
    %mul3A_93 = arith.constant 16 : i32
    %mul3A_94 = arith.muli %scan3A_91#2, %mul3A_93 : i32
    %get3A_95 = arith.index_cast %mul3A_94 : i32 to index
    %get3A_96 = tpu.vector_load %arg8[%get3A_95] {strides = array<i32>} : memref<2048xi32, #tpu.memory_space<vmem>>, vector<16xi32>,
    %rev3A_97 = arith.constant 15 : i32
    %rev3A_98 = vector.broadcast %rev3A_97 : i32 to vector<16xi32>
    %rev3A_99 = tpu.iota {dimensions = array<i32: 0>} : vector<16xi32>
    %rev3A_100 = arith.subi %rev3A_98, %rev3A_99 : vector<16xi32>
    %rev3A_101 = tpu.dynamic_gather %get3A_96[%rev3A_100] in [0] : vector<16xi32>, vector<16xi32> -> vector<16xi32>
    %broadcast_in_dim3A_102 = arith.constant true
    %broadcast_in_dim3A_103 = vector.broadcast %broadcast_in_dim3A_102 : i1 to vector<16xi1>
    %masked_cumsum3A_104 = tpu.scan <sum>, %rev3A_101 masked %broadcast_in_dim3A_103 : vector<16xi32>, vector<16xi1> -> vector<16xi32>
    %add3A_105 = vector.broadcast %scan3A_91#3 : i32 to vector<16xi32>
    %add3A_106 = arith.addi %add3A_105, %masked_cumsum3A_104 : vector<16xi32>
    %ge3A_107 = vector.broadcast %sub3A_82 : i32 to vector<16xi32>
    %ge3A_108 = arith.cmpi sge, %add3A_106, %ge3A_107 : vector<16xi32>
    %all_reduce_ffs3A_109 = tpu.all_reduce %ge3A_108 {dim = 0 : i64, kind = #tpu.reduction_kind<find_first_set>} : vector<16xi1> -> vector<16xi32>
    %reduce_max3A_110 = arith.constant true
    %reduce_max3A_111 = vector.broadcast %reduce_max3A_110 : i1 to vector<16xi1>
    %reduce_max3A_112 = arith.constant -2147483648 : i32
    %reduce_max3A_113 = vector.broadcast %reduce_max3A_112 : i32 to vector<16xi32>
    %reduce_max3A_114 = arith.xori %all_reduce_ffs3A_109, %reduce_max3A_113 : vector<16xi32>
    %reduce_max3A_115 = tpu.scan <max>, %reduce_max3A_114 masked %reduce_max3A_111 : vector<16xi32>, vector<16xi1> -> vector<16xi32>
    %reduce_max3A_116 = arith.xori %reduce_max3A_115, %reduce_max3A_113 : vector<16xi32>
    %reduce_max3A_117 = vector.extract %reduce_max3A_116[15] : i32 from vector<16xi32>
    %mul3A_118 = arith.constant 16 : i32
    %mul3A_119 = arith.muli %scan3A_91#2, %mul3A_118 : i32
    %add3A_120 = arith.constant 15 : i32
    %add3A_121 = arith.addi %mul3A_119, %add3A_120 : i32
    %sub3A_122 = arith.subi %add3A_121, %reduce_max3A_117 : i32
    %eq3A_123 = vector.broadcast %reduce_max3A_117 : i32 to vector<16xi32>
    %eq3A_124 = arith.cmpi eq, %iota3A, %eq3A_123 : vector<16xi32>
    %jit3A_125 = arith.constant 0 : i32
    %broadcast_in_dim3A_126 = vector.broadcast %jit3A_125 : i32 to vector<16xi32>
    %select_n3A_127 = arith.select %eq3A_124, %rev3A_101, %broadcast_in_dim3A_126 : vector<16xi1>, vector<16xi32>
    %reduce_sum3A_128 = arith.constant true
    %reduce_sum3A_129 = vector.broadcast %reduce_sum3A_128 : i1 to vector<16xi1>
    %reduce_sum3A_130 = tpu.scan <sum>, %select_n3A_127 masked %reduce_sum3A_129 : vector<16xi32>, vector<16xi1> -> vector<16xi32>
    %reduce_sum3A_131 = vector.extract %reduce_sum3A_130[15] : i32 from vector<16xi32>
    %eq3A_132 = vector.broadcast %reduce_max3A_117 : i32 to vector<16xi32>
    %eq3A_133 = arith.cmpi eq, %iota3A, %eq3A_132 : vector<16xi32>
    %jit3A_134 = arith.constant 0 : i32
    %broadcast_in_dim3A_135 = vector.broadcast %jit3A_134 : i32 to vector<16xi32>
    %select_n3A_136 = arith.select %eq3A_133, %masked_cumsum3A_104, %broadcast_in_dim3A_135 : vector<16xi1>, vector<16xi32>
    %reduce_sum3A_137 = arith.constant true
    %reduce_sum3A_138 = vector.broadcast %reduce_sum3A_137 : i1 to vector<16xi1>
    %reduce_sum3A_139 = tpu.scan <sum>, %select_n3A_136 masked %reduce_sum3A_138 : vector<16xi32>, vector<16xi1> -> vector<16xi32>
    %reduce_sum3A_140 = vector.extract %reduce_sum3A_139[15] : i32 from vector<16xi32>
    %add3A_141 = arith.addi %scan3A_91#3, %reduce_sum3A_140 : i32
    %sub3A_142 = arith.subi %add3A_141, %reduce_sum3A_131 : i32
    %shift_left3A = arith.constant 11 : i32
    %shift_left3A_143 = arith.shli %sub3A, %shift_left3A : i32
    %or3A = arith.ori %shift_left3A_143, %sub3A_122 : i32
    %scan3A_144 = arith.constant 0 : i32
    %scan3A_145 = arith.constant 0 : i32
    %scan3A_146 = arith.constant 32 : i32
    %scan3A_147 = arith.addi %scan3A_145, %scan3A_146 : i32
    %scan3A_148 = arith.constant 1 : i32
    scf.for %scan3A_259 = %scan3A_145 to %scan3A_147 step %scan3A_148  : i32 {
      %mul3A_260 = arith.constant 16 : i32
      %mul3A_261 = arith.muli %scan3A_259, %mul3A_260 : i32
      %swap3A_262 = arith.index_cast %mul3A_261 : i32 to index
      %swap3A_263 = tpu.vector_load %arg8[%swap3A_262] {strides = array<i32>} : memref<2048xi32, #tpu.memory_space<vmem>>, vector<16xi32>,
      tpu.vector_store %arg8[%swap3A_262], %broadcast_in_dim3A_6 {strides = array<i32>} : memref<2048xi32, #tpu.memory_space<vmem>>, vector<16xi32>,
    }
    %scan3A_149 = arith.constant 32 : i32
    %scan3A_150 = arith.constant 0 : i32
    %scan3A_151 = arith.constant 0 : i32
    %scan3A_152 = arith.constant 525 : i32
    %scan3A_153 = arith.addi %scan3A_151, %scan3A_152 : i32
    %scan3A_154 = arith.constant 1 : i32
    scf.for %scan3A_259 = %scan3A_151 to %scan3A_153 step %scan3A_154  : i32 {
      %mul3A_260 = arith.constant 2 : i32
      %mul3A_261 = arith.muli %mul3A_260, %scan3A_259 : i32
      %add3A_262 = arith.constant 0 : i32
      %add3A_263 = arith.addi %mul3A_261, %add3A_262 : i32
      %mul3A_264 = arith.constant 16 : i32
      %mul3A_265 = arith.muli %add3A_263, %mul3A_264 : i32
      %get3A_266 = arith.index_cast %mul3A_265 : i32 to index
      %get3A_267 = tpu.vector_load %arg6[%get3A_266] {strides = array<i32>} : memref<16800xi32, #tpu.memory_space<vmem>>, vector<16xi32>,
      %shift_right_logical3A = arith.constant 9 : i32
      %shift_right_logical3A_268 = vector.broadcast %shift_right_logical3A : i32 to vector<16xi32>
      %shift_right_logical3A_269 = arith.shrui %get3A_267, %shift_right_logical3A_268 : vector<16xi32>
      %eq3A_270 = vector.broadcast %or3A : i32 to vector<16xi32>
      %eq3A_271 = arith.cmpi eq, %shift_right_logical3A_269, %eq3A_270 : vector<16xi32>
      %and3A = arith.constant 511 : i32
      %and3A_272 = vector.broadcast %and3A : i32 to vector<16xi32>
      %and3A_273 = arith.andi %get3A_267, %and3A_272 : vector<16xi32>
      tpu.vector_store_idx %arg8[%and3A_273], %broadcast_in_dim3A_8 masked %eq3A_271 {add = true} : memref<2048xi32, #tpu.memory_space<vmem>>[vector<16xi32>], vector<16xi32>, vector<16xi1>
      %mul3A_274 = arith.constant 2 : i32
      %mul3A_275 = arith.muli %mul3A_274, %scan3A_259 : i32
      %add3A_276 = arith.constant 1 : i32
      %add3A_277 = arith.addi %mul3A_275, %add3A_276 : i32
      %mul3A_278 = arith.constant 16 : i32
      %mul3A_279 = arith.muli %add3A_277, %mul3A_278 : i32
      %get3A_280 = arith.index_cast %mul3A_279 : i32 to index
      %get3A_281 = tpu.vector_load %arg6[%get3A_280] {strides = array<i32>} : memref<16800xi32, #tpu.memory_space<vmem>>, vector<16xi32>,
      %shift_right_logical3A_282 = arith.constant 9 : i32
      %shift_right_logical3A_283 = vector.broadcast %shift_right_logical3A_282 : i32 to vector<16xi32>
      %shift_right_logical3A_284 = arith.shrui %get3A_281, %shift_right_logical3A_283 : vector<16xi32>
      %eq3A_285 = vector.broadcast %or3A : i32 to vector<16xi32>
      %eq3A_286 = arith.cmpi eq, %shift_right_logical3A_284, %eq3A_285 : vector<16xi32>
      %and3A_287 = arith.constant 511 : i32
      %and3A_288 = vector.broadcast %and3A_287 : i32 to vector<16xi32>
      %and3A_289 = arith.andi %get3A_281, %and3A_288 : vector<16xi32>
      tpu.vector_store_idx %arg8[%and3A_289], %broadcast_in_dim3A_8 masked %eq3A_286 {add = true} : memref<2048xi32, #tpu.memory_space<vmem>>[vector<16xi32>], vector<16xi32>, vector<16xi1>
    }
    %scan3A_155 = arith.constant 525 : i32
    %sub3A_156 = arith.subi %min3A_5, %sub3A_69 : i32
    %sub3A_157 = arith.subi %sub3A_156, %sub3A_142 : i32
    %scan3A_158 = arith.constant 0 : i32
    %scan3A_159 = arith.constant 0 : i32
    %scan3A_160 = arith.constant 0 : i32
    %scan3A_161 = arith.constant 0 : i32
    %scan3A_162 = arith.constant 0 : i32
    %scan3A_163 = arith.constant 32 : i32
    %scan3A_164 = arith.addi %scan3A_162, %scan3A_163 : i32
    %scan3A_165 = arith.constant 1 : i32
    %scan3A_166:4 = scf.for %scan3A_259 = %scan3A_162 to %scan3A_164 step %scan3A_165 iter_args(%scan3A_260 = %scan3A_158, %scan3A_261 = %scan3A_159, %scan3A_262 = %scan3A_160, %scan3A_263 = %scan3A_161) -> (i32, i32, i32, i32)  : i32 {
      %sub3A_264 = arith.constant 31 : i32
      %sub3A_265 = arith.subi %sub3A_264, %scan3A_259 : i32
      %mul3A_266 = arith.constant 16 : i32
      %mul3A_267 = arith.muli %sub3A_265, %mul3A_266 : i32
      %get3A_268 = arith.index_cast %mul3A_267 : i32 to index
      %get3A_269 = tpu.vector_load %arg8[%get3A_268] {strides = array<i32>} : memref<2048xi32, #tpu.memory_space<vmem>>, vector<16xi32>,
      %reduce_sum3A_270 = arith.constant true
      %reduce_sum3A_271 = vector.broadcast %reduce_sum3A_270 : i1 to vector<16xi1>
      %reduce_sum3A_272 = tpu.scan <sum>, %get3A_269 masked %reduce_sum3A_271 : vector<16xi32>, vector<16xi1> -> vector<16xi32>
      %reduce_sum3A_273 = vector.extract %reduce_sum3A_272[15] : i32 from vector<16xi32>
      %add3A_274 = arith.addi %scan3A_260, %reduce_sum3A_273 : i32
      %eq3A_275 = arith.constant 0 : i32
      %eq3A_276 = arith.cmpi eq, %scan3A_261, %eq3A_275 : i32
      %ge3A_277 = arith.cmpi sge, %add3A_274, %sub3A_157 : i32
      %and3A = arith.andi %eq3A_276, %ge3A_277 : i1
      %select_n3A_278 = arith.select %and3A, %sub3A_265, %scan3A_262 : i32
      %select_n3A_279 = arith.select %and3A, %scan3A_260, %scan3A_263 : i32
      %ge3A_280 = arith.cmpi sge, %add3A_274, %sub3A_157 : i32
      %jit3A_281 = arith.constant 1 : i32
      %select_n3A_282 = arith.select %ge3A_280, %jit3A_281, %scan3A_261 : i32
      scf.yield %add3A_274, %select_n3A_282, %select_n3A_278, %select_n3A_279 : i32, i32, i32, i32
    }
    %scan3A_167 = arith.constant 32 : i32
    %mul3A_168 = arith.constant 16 : i32
    %mul3A_169 = arith.muli %scan3A_166#2, %mul3A_168 : i32
    %get3A_170 = arith.index_cast %mul3A_169 : i32 to index
    %get3A_171 = tpu.vector_load %arg8[%get3A_170] {strides = array<i32>} : memref<2048xi32, #tpu.memory_space<vmem>>, vector<16xi32>,
    %rev3A_172 = arith.constant 15 : i32
    %rev3A_173 = vector.broadcast %rev3A_172 : i32 to vector<16xi32>
    %rev3A_174 = tpu.iota {dimensions = array<i32: 0>} : vector<16xi32>
    %rev3A_175 = arith.subi %rev3A_173, %rev3A_174 : vector<16xi32>
    %rev3A_176 = tpu.dynamic_gather %get3A_171[%rev3A_175] in [0] : vector<16xi32>, vector<16xi32> -> vector<16xi32>
    %broadcast_in_dim3A_177 = arith.constant true
    %broadcast_in_dim3A_178 = vector.broadcast %broadcast_in_dim3A_177 : i1 to vector<16xi1>
    %masked_cumsum3A_179 = tpu.scan <sum>, %rev3A_176 masked %broadcast_in_dim3A_178 : vector<16xi32>, vector<16xi1> -> vector<16xi32>
    %add3A_180 = vector.broadcast %scan3A_166#3 : i32 to vector<16xi32>
    %add3A_181 = arith.addi %add3A_180, %masked_cumsum3A_179 : vector<16xi32>
    %ge3A_182 = vector.broadcast %sub3A_157 : i32 to vector<16xi32>
    %ge3A_183 = arith.cmpi sge, %add3A_181, %ge3A_182 : vector<16xi32>
    %all_reduce_ffs3A_184 = tpu.all_reduce %ge3A_183 {dim = 0 : i64, kind = #tpu.reduction_kind<find_first_set>} : vector<16xi1> -> vector<16xi32>
    %reduce_max3A_185 = arith.constant true
    %reduce_max3A_186 = vector.broadcast %reduce_max3A_185 : i1 to vector<16xi1>
    %reduce_max3A_187 = arith.constant -2147483648 : i32
    %reduce_max3A_188 = vector.broadcast %reduce_max3A_187 : i32 to vector<16xi32>
    %reduce_max3A_189 = arith.xori %all_reduce_ffs3A_184, %reduce_max3A_188 : vector<16xi32>
    %reduce_max3A_190 = tpu.scan <max>, %reduce_max3A_189 masked %reduce_max3A_186 : vector<16xi32>, vector<16xi1> -> vector<16xi32>
    %reduce_max3A_191 = arith.xori %reduce_max3A_190, %reduce_max3A_188 : vector<16xi32>
    %reduce_max3A_192 = vector.extract %reduce_max3A_191[15] : i32 from vector<16xi32>
    %mul3A_193 = arith.constant 16 : i32
    %mul3A_194 = arith.muli %scan3A_166#2, %mul3A_193 : i32
    %add3A_195 = arith.constant 15 : i32
    %add3A_196 = arith.addi %mul3A_194, %add3A_195 : i32
    %sub3A_197 = arith.subi %add3A_196, %reduce_max3A_192 : i32
    %eq3A_198 = vector.broadcast %reduce_max3A_192 : i32 to vector<16xi32>
    %eq3A_199 = arith.cmpi eq, %iota3A, %eq3A_198 : vector<16xi32>
    %jit3A_200 = arith.constant 0 : i32
    %broadcast_in_dim3A_201 = vector.broadcast %jit3A_200 : i32 to vector<16xi32>
    %select_n3A_202 = arith.select %eq3A_199, %rev3A_176, %broadcast_in_dim3A_201 : vector<16xi1>, vector<16xi32>
    %reduce_sum3A_203 = arith.constant true
    %reduce_sum3A_204 = vector.broadcast %reduce_sum3A_203 : i1 to vector<16xi1>
    %reduce_sum3A_205 = tpu.scan <sum>, %select_n3A_202 masked %reduce_sum3A_204 : vector<16xi32>, vector<16xi1> -> vector<16xi32>
    %reduce_sum3A_206 = vector.extract %reduce_sum3A_205[15] : i32 from vector<16xi32>
    %eq3A_207 = vector.broadcast %reduce_max3A_192 : i32 to vector<16xi32>
    %eq3A_208 = arith.cmpi eq, %iota3A, %eq3A_207 : vector<16xi32>
    %jit3A_209 = arith.constant 0 : i32
    %broadcast_in_dim3A_210 = vector.broadcast %jit3A_209 : i32 to vector<16xi32>
    %select_n3A_211 = arith.select %eq3A_208, %masked_cumsum3A_179, %broadcast_in_dim3A_210 : vector<16xi1>, vector<16xi32>
    %reduce_sum3A_212 = arith.constant true
    %reduce_sum3A_213 = vector.broadcast %reduce_sum3A_212 : i1 to vector<16xi1>
    %reduce_sum3A_214 = tpu.scan <sum>, %select_n3A_211 masked %reduce_sum3A_213 : vector<16xi32>, vector<16xi1> -> vector<16xi32>
    %reduce_sum3A_215 = vector.extract %reduce_sum3A_214[15] : i32 from vector<16xi32>
    %add3A_216 = arith.addi %scan3A_166#3, %reduce_sum3A_215 : i32
    %sub3A_217 = arith.subi %add3A_216, %reduce_sum3A_206 : i32
    %add3A_218 = arith.addi %sub3A_217, %sub3A_69 : i32
    %add3A_219 = arith.addi %add3A_218, %sub3A_142 : i32
    %shift_left3A_220 = arith.constant 9 : i32
    %shift_left3A_221 = arith.shli %or3A, %shift_left3A_220 : i32
    %or3A_222 = arith.ori %shift_left3A_221, %sub3A_197 : i32
    %sub3A_223 = arith.subi %min3A_5, %add3A_219 : i32
    %broadcast_in_dim3A_224 = arith.constant 0.000000e+00 : f32
    %broadcast_in_dim3A_225 = vector.broadcast %broadcast_in_dim3A_224 : f32 to vector<16xf32>
    %scan3A_226 = arith.constant 0 : i32
    %scan3A_227 = arith.constant 525 : i32
    %scan3A_228 = arith.addi %scan3A_226, %scan3A_227 : i32
    %scan3A_229 = arith.constant 1 : i32
    %scan3A_230:3 = scf.for %scan3A_259 = %scan3A_226 to %scan3A_228 step %scan3A_229 iter_args(%scan3A_260 = %broadcast_in_dim3A_225, %scan3A_261 = %broadcast_in_dim3A_6, %scan3A_262 = %broadcast_in_dim3A_6) -> (vector<16xf32>, vector<16xi32>, vector<16xi32>)  : i32 {
      %mul3A_263 = arith.constant 2 : i32
      %mul3A_264 = arith.muli %mul3A_263, %scan3A_259 : i32
      %add3A_265 = arith.constant 0 : i32
      %add3A_266 = arith.addi %mul3A_264, %add3A_265 : i32
      %mul3A_267 = arith.constant 16 : i32
      %mul3A_268 = arith.muli %add3A_266, %mul3A_267 : i32
      %get3A_269 = arith.index_cast %mul3A_268 : i32 to index
      %get3A_270 = tpu.vector_load %arg5[%get3A_269] {strides = array<i32>} : memref<16800xf32, #tpu.memory_space<vmem>>, vector<16xf32>,
      %bitcast_convert_type3A_271 = tpu.bitcast %get3A_270 : vector<16xf32> -> vector<16xi32>
      %lt3A = arith.constant 0 : i32
      %lt3A_272 = vector.broadcast %lt3A : i32 to vector<16xi32>
      %lt3A_273 = arith.cmpi slt, %bitcast_convert_type3A_271, %lt3A_272 : vector<16xi32>
      %get3A_274 = arith.index_cast %mul3A_268 : i32 to index
      %get3A_275 = tpu.vector_load %arg6[%get3A_274] {strides = array<i32>} : memref<16800xi32, #tpu.memory_space<vmem>>, vector<16xi32>,
      %gt3A = vector.broadcast %or3A_222 : i32 to vector<16xi32>
      %gt3A_276 = arith.cmpi sgt, %get3A_275, %gt3A : vector<16xi32>
      %eq3A_277 = vector.broadcast %or3A_222 : i32 to vector<16xi32>
      %eq3A_278 = arith.cmpi eq, %get3A_275, %eq3A_277 : vector<16xi32>
      %bitcast_convert_type3A_279 = tpu.bitcast %get3A_275 : vector<16xi32> -> vector<16xf32>
      %or3A_280 = arith.ori %gt3A_276, %lt3A_273 : vector<16xi1>
      %jit3A_281 = arith.constant 0.000000e+00 : f32
      %broadcast_in_dim3A_282 = vector.broadcast %jit3A_281 : f32 to vector<16xf32>
      %select_n3A_283 = arith.select %or3A_280, %bitcast_convert_type3A_279, %broadcast_in_dim3A_282 : vector<16xi1>, vector<16xf32>
      %add3A_284 = arith.addf %scan3A_260, %select_n3A_283 : vector<16xf32>
      %jit3A_285 = arith.constant 1 : i32
      %jit3A_286 = arith.constant 0 : i32
      %broadcast_in_dim3A_287 = vector.broadcast %jit3A_285 : i32 to vector<16xi32>
      %broadcast_in_dim3A_288 = vector.broadcast %jit3A_286 : i32 to vector<16xi32>
      %select_n3A_289 = arith.select %eq3A_278, %broadcast_in_dim3A_287, %broadcast_in_dim3A_288 : vector<16xi1>, vector<16xi32>
      %add3A_290 = arith.addi %scan3A_261, %select_n3A_289 : vector<16xi32>
      %not3A = arith.constant dense<true> : vector<16xi1>
      %not3A_291 = arith.xori %lt3A_273, %not3A : vector<16xi1>
      %and3A = arith.andi %eq3A_278, %not3A_291 : vector<16xi1>
      %jit3A_292 = arith.constant 1 : i32
      %jit3A_293 = arith.constant 0 : i32
      %broadcast_in_dim3A_294 = vector.broadcast %jit3A_292 : i32 to vector<16xi32>
      %broadcast_in_dim3A_295 = vector.broadcast %jit3A_293 : i32 to vector<16xi32>
      %select_n3A_296 = arith.select %and3A, %broadcast_in_dim3A_294, %broadcast_in_dim3A_295 : vector<16xi1>, vector<16xi32>
      %add3A_297 = arith.addi %scan3A_262, %select_n3A_296 : vector<16xi32>
      %mul3A_298 = arith.constant 2 : i32
      %mul3A_299 = arith.muli %mul3A_298, %scan3A_259 : i32
      %add3A_300 = arith.constant 1 : i32
      %add3A_301 = arith.addi %mul3A_299, %add3A_300 : i32
      %mul3A_302 = arith.constant 16 : i32
      %mul3A_303 = arith.muli %add3A_301, %mul3A_302 : i32
      %get3A_304 = arith.index_cast %mul3A_303 : i32 to index
      %get3A_305 = tpu.vector_load %arg5[%get3A_304] {strides = array<i32>} : memref<16800xf32, #tpu.memory_space<vmem>>, vector<16xf32>,
      %bitcast_convert_type3A_306 = tpu.bitcast %get3A_305 : vector<16xf32> -> vector<16xi32>
      %lt3A_307 = arith.constant 0 : i32
      %lt3A_308 = vector.broadcast %lt3A_307 : i32 to vector<16xi32>
      %lt3A_309 = arith.cmpi slt, %bitcast_convert_type3A_306, %lt3A_308 : vector<16xi32>
      %get3A_310 = arith.index_cast %mul3A_303 : i32 to index
      %get3A_311 = tpu.vector_load %arg6[%get3A_310] {strides = array<i32>} : memref<16800xi32, #tpu.memory_space<vmem>>, vector<16xi32>,
      %gt3A_312 = vector.broadcast %or3A_222 : i32 to vector<16xi32>
      %gt3A_313 = arith.cmpi sgt, %get3A_311, %gt3A_312 : vector<16xi32>
      %eq3A_314 = vector.broadcast %or3A_222 : i32 to vector<16xi32>
      %eq3A_315 = arith.cmpi eq, %get3A_311, %eq3A_314 : vector<16xi32>
      %bitcast_convert_type3A_316 = tpu.bitcast %get3A_311 : vector<16xi32> -> vector<16xf32>
      %or3A_317 = arith.ori %gt3A_313, %lt3A_309 : vector<16xi1>
      %jit3A_318 = arith.constant 0.000000e+00 : f32
      %broadcast_in_dim3A_319 = vector.broadcast %jit3A_318 : f32 to vector<16xf32>
      %select_n3A_320 = arith.select %or3A_317, %bitcast_convert_type3A_316, %broadcast_in_dim3A_319 : vector<16xi1>, vector<16xf32>
      %add3A_321 = arith.addf %add3A_284, %select_n3A_320 : vector<16xf32>
      %jit3A_322 = arith.constant 1 : i32
      %jit3A_323 = arith.constant 0 : i32
      %broadcast_in_dim3A_324 = vector.broadcast %jit3A_322 : i32 to vector<16xi32>
      %broadcast_in_dim3A_325 = vector.broadcast %jit3A_323 : i32 to vector<16xi32>
      %select_n3A_326 = arith.select %eq3A_315, %broadcast_in_dim3A_324, %broadcast_in_dim3A_325 : vector<16xi1>, vector<16xi32>
      %add3A_327 = arith.addi %add3A_290, %select_n3A_326 : vector<16xi32>
      %not3A_328 = arith.constant dense<true> : vector<16xi1>
      %not3A_329 = arith.xori %lt3A_309, %not3A_328 : vector<16xi1>
      %and3A_330 = arith.andi %eq3A_315, %not3A_329 : vector<16xi1>
      %jit3A_331 = arith.constant 1 : i32
      %jit3A_332 = arith.constant 0 : i32
      %broadcast_in_dim3A_333 = vector.broadcast %jit3A_331 : i32 to vector<16xi32>
      %broadcast_in_dim3A_334 = vector.broadcast %jit3A_332 : i32 to vector<16xi32>
      %select_n3A_335 = arith.select %and3A_330, %broadcast_in_dim3A_333, %broadcast_in_dim3A_334 : vector<16xi1>, vector<16xi32>
      %add3A_336 = arith.addi %add3A_297, %select_n3A_335 : vector<16xi32>
      scf.yield %add3A_321, %add3A_327, %add3A_336 : vector<16xf32>, vector<16xi32>, vector<16xi32>
    }
    %scan3A_231 = arith.constant 525 : i32
    %reduce_sum3A_232 = arith.constant true
    %reduce_sum3A_233 = vector.broadcast %reduce_sum3A_232 : i1 to vector<16xi1>
    %reduce_sum3A_234 = tpu.scan <sum>, %scan3A_230#1 masked %reduce_sum3A_233 : vector<16xi32>, vector<16xi1> -> vector<16xi32>
    %reduce_sum3A_235 = vector.extract %reduce_sum3A_234[15] : i32 from vector<16xi32>
    %reduce_sum3A_236 = arith.constant true
    %reduce_sum3A_237 = vector.broadcast %reduce_sum3A_236 : i1 to vector<16xi1>
    %reduce_sum3A_238 = tpu.scan <sum>, %scan3A_230#2 masked %reduce_sum3A_237 : vector<16xi32>, vector<16xi1> -> vector<16xi32>
    %reduce_sum3A_239 = vector.extract %reduce_sum3A_238[15] : i32 from vector<16xi32>
    %eq3A_240 = arith.cmpi eq, %sub3A_223, %reduce_sum3A_235 : i32
    %convert_element_type3A_241 = arith.extui %eq3A_240 : i1 to i32
    %cond3A = arith.constant 0 : i32
    %cond3A_242 = arith.cmpi ne, %convert_element_type3A_241, %cond3A : i32
    %cond3A_243 = scf.if %cond3A_242 -> (i32) {
      scf.yield %reduce_sum3A_239 : i32
    } else {
      %scan3A_259 = arith.constant 0 : i32
      %scan3A_260 = arith.constant 0 : i32
      %scan3A_261 = arith.constant 0 : i32
      %scan3A_262 = arith.constant 1050 : i32
      %scan3A_263 = arith.addi %scan3A_261, %scan3A_262 : i32
      %scan3A_264 = arith.constant 1 : i32
      %scan3A_265:2 = scf.for %scan3A_267 = %scan3A_261 to %scan3A_263 step %scan3A_264 iter_args(%scan3A_268 = %scan3A_259, %scan3A_269 = %scan3A_260) -> (i32, i32)  : i32 {
        %mul3A_270 = arith.constant 16 : i32
        %mul3A_271 = arith.muli %scan3A_267, %mul3A_270 : i32
        %get3A_272 = arith.index_cast %mul3A_271 : i32 to index
        %get3A_273 = tpu.vector_load %arg6[%get3A_272] {strides = array<i32>} : memref<16800xi32, #tpu.memory_space<vmem>>, vector<16xi32>,
        %mul3A_274 = arith.constant 16 : i32
        %mul3A_275 = arith.muli %scan3A_267, %mul3A_274 : i32
        %get3A_276 = arith.index_cast %mul3A_275 : i32 to index
        %get3A_277 = tpu.vector_load %arg5[%get3A_276] {strides = array<i32>} : memref<16800xf32, #tpu.memory_space<vmem>>, vector<16xf32>,
        %bitcast_convert_type3A_278 = tpu.bitcast %get3A_277 : vector<16xf32> -> vector<16xi32>
        %lt3A = arith.constant 0 : i32
        %lt3A_279 = vector.broadcast %lt3A : i32 to vector<16xi32>
        %lt3A_280 = arith.cmpi slt, %bitcast_convert_type3A_278, %lt3A_279 : vector<16xi32>
        %eq3A_281 = vector.broadcast %or3A_222 : i32 to vector<16xi32>
        %eq3A_282 = arith.cmpi eq, %get3A_273, %eq3A_281 : vector<16xi32>
        %jit3A_283 = arith.constant 1 : i32
        %jit3A_284 = arith.constant 0 : i32
        %broadcast_in_dim3A_285 = vector.broadcast %jit3A_283 : i32 to vector<16xi32>
        %broadcast_in_dim3A_286 = vector.broadcast %jit3A_284 : i32 to vector<16xi32>
        %select_n3A_287 = arith.select %eq3A_282, %broadcast_in_dim3A_285, %broadcast_in_dim3A_286 : vector<16xi1>, vector<16xi32>
        %broadcast_in_dim3A_288 = arith.constant true
        %broadcast_in_dim3A_289 = vector.broadcast %broadcast_in_dim3A_288 : i1 to vector<16xi1>
        %masked_cumsum3A_290 = tpu.scan <sum>, %select_n3A_287 masked %broadcast_in_dim3A_289 : vector<16xi32>, vector<16xi1> -> vector<16xi32>
        %sub3A_291 = arith.subi %masked_cumsum3A_290, %select_n3A_287 : vector<16xi32>
        %eq3A_292 = arith.constant 1 : i32
        %eq3A_293 = vector.broadcast %eq3A_292 : i32 to vector<16xi32>
        %eq3A_294 = arith.cmpi eq, %select_n3A_287, %eq3A_293 : vector<16xi32>
        %add3A_295 = vector.broadcast %scan3A_268 : i32 to vector<16xi32>
        %add3A_296 = arith.addi %add3A_295, %sub3A_291 : vector<16xi32>
        %lt3A_297 = vector.broadcast %sub3A_223 : i32 to vector<16xi32>
        %lt3A_298 = arith.cmpi slt, %add3A_296, %lt3A_297 : vector<16xi32>
        %and3A = arith.andi %eq3A_294, %lt3A_298 : vector<16xi1>
        %not3A = arith.constant dense<true> : vector<16xi1>
        %not3A_299 = arith.xori %lt3A_280, %not3A : vector<16xi1>
        %and3A_300 = arith.andi %and3A, %not3A_299 : vector<16xi1>
        %jit3A_301 = arith.constant 1 : i32
        %jit3A_302 = arith.constant 0 : i32
        %broadcast_in_dim3A_303 = vector.broadcast %jit3A_301 : i32 to vector<16xi32>
        %broadcast_in_dim3A_304 = vector.broadcast %jit3A_302 : i32 to vector<16xi32>
        %select_n3A_305 = arith.select %and3A_300, %broadcast_in_dim3A_303, %broadcast_in_dim3A_304 : vector<16xi1>, vector<16xi32>
        %reduce_sum3A_306 = arith.constant true
        %reduce_sum3A_307 = vector.broadcast %reduce_sum3A_306 : i1 to vector<16xi1>
        %reduce_sum3A_308 = tpu.scan <sum>, %select_n3A_305 masked %reduce_sum3A_307 : vector<16xi32>, vector<16xi1> -> vector<16xi32>
        %reduce_sum3A_309 = vector.extract %reduce_sum3A_308[15] : i32 from vector<16xi32>
        %add3A_310 = arith.addi %scan3A_269, %reduce_sum3A_309 : i32
        %reduce_sum3A_311 = arith.constant true
        %reduce_sum3A_312 = vector.broadcast %reduce_sum3A_311 : i1 to vector<16xi1>
        %reduce_sum3A_313 = tpu.scan <sum>, %select_n3A_287 masked %reduce_sum3A_312 : vector<16xi32>, vector<16xi1> -> vector<16xi32>
        %reduce_sum3A_314 = vector.extract %reduce_sum3A_313[15] : i32 from vector<16xi32>
        %add3A_315 = arith.addi %scan3A_268, %reduce_sum3A_314 : i32
        scf.yield %add3A_315, %add3A_310 : i32, i32
      }
      %scan3A_266 = arith.constant 1050 : i32
      scf.yield %scan3A_265#1 : i32
    }
    %broadcast_in_dim3A_244 = vector.broadcast %or3A_222 : i32 to vector<16xi32>
    %bitcast_convert_type3A = tpu.bitcast %broadcast_in_dim3A_244 : vector<16xi32> -> vector<16xf32>
    %convert_element_type3A_245 = arith.sitofp %cond3A_243 : i32 to f32
    %mul3A_246 = vector.broadcast %convert_element_type3A_245 : f32 to vector<16xf32>
    %mul3A_247 = arith.mulf %bitcast_convert_type3A, %mul3A_246 : vector<16xf32>
    %reduce_sum3A_248 = arith.constant true
    %reduce_sum3A_249 = vector.broadcast %reduce_sum3A_248 : i1 to vector<16xi1>
    %reduce_sum3A_250 = tpu.scan <sum>, %scan3A_230#0 masked %reduce_sum3A_249 : vector<16xf32>, vector<16xi1> -> vector<16xf32>
    %reduce_sum3A_251 = vector.extract %reduce_sum3A_250[15] : f32 from vector<16xf32>
    %reduce_max3A_252 = arith.constant true
    %reduce_max3A_253 = vector.broadcast %reduce_max3A_252 : i1 to vector<16xi1>
    %reduce_max3A_254 = tpu.scan <max>, %mul3A_247 masked %reduce_max3A_253 : vector<16xf32>, vector<16xi1> -> vector<16xf32>
    %reduce_max3A_255 = vector.extract %reduce_max3A_254[15] : f32 from vector<16xf32>
    %add3A_256 = arith.addf %reduce_sum3A_251, %reduce_max3A_255 : f32
    %broadcast_in_dim3A_257 = vector.broadcast %add3A_256 : f32 to vector<16xf32>
    %swap3A = arith.constant 0 : index
    %swap3A_258 = tpu.vector_load %arg9[%swap3A] {strides = array<i32>} : memref<16xf32, #tpu.memory_space<vmem>>, vector<16xf32>,
    tpu.vector_store %arg9[%swap3A], %broadcast_in_dim3A_257 {strides = array<i32>} : memref<16xf32, #tpu.memory_space<vmem>>, vector<16xf32>,
    "tpu.region"() ({
      %run_scoped3A = tpu.sem_alloc : memref<!tpu.dma_semaphore, #tpu.memory_space<semaphore_mem>>
      %dma_start3A = arith.constant 0 : i32
      %dma_start3A_259 = tpu.memref_slice %arg4[%rem3A_1, %dma_start3A] : memref<32x16xf32, #tpu.memory_space<hbm>> -> memref<1x16xf32, #tpu.memory_space<hbm>>
      %dma_start3A_260 = tpu.memref_squeeze %dma_start3A_259 : memref<1x16xf32, #tpu.memory_space<hbm>> -> memref<16xf32, #tpu.memory_space<hbm>>
      %dma_start3A_261 = arith.constant 0 : i32
      %dma_start3A_262 = tpu.memref_slice %arg4[%rem3A_1, %dma_start3A_261] : memref<32x16xf32, #tpu.memory_space<hbm>> -> memref<1x16xf32, #tpu.memory_space<hbm>>
      %dma_start3A_263 = tpu.memref_squeeze %dma_start3A_262 : memref<1x16xf32, #tpu.memory_space<hbm>> -> memref<16xf32, #tpu.memory_space<hbm>>
      tpu.enqueue_dma source(%arg9 : memref<16xf32, #tpu.memory_space<vmem>>) target(%dma_start3A_263 : memref<16xf32, #tpu.memory_space<hbm>>) target_semaphore(%run_scoped3A : memref<!tpu.dma_semaphore, #tpu.memory_space<semaphore_mem>>)
      %dma_wait3A = arith.constant 0 : i32
      %dma_wait3A_264 = tpu.memref_slice %arg4[%rem3A_1, %dma_wait3A] : memref<32x16xf32, #tpu.memory_space<hbm>> -> memref<1x16xf32, #tpu.memory_space<hbm>>
      %dma_wait3A_265 = tpu.memref_squeeze %dma_wait3A_264 : memref<1x16xf32, #tpu.memory_space<hbm>> -> memref<16xf32, #tpu.memory_space<hbm>>
      %dma_wait3A_266 = arith.constant 0 : i32
      %dma_wait3A_267 = tpu.memref_slice %arg4[%rem3A_1, %dma_wait3A_266] : memref<32x16xf32, #tpu.memory_space<hbm>> -> memref<1x16xf32, #tpu.memory_space<hbm>>
      %dma_wait3A_268 = tpu.memref_squeeze %dma_wait3A_267 : memref<1x16xf32, #tpu.memory_space<hbm>> -> memref<16xf32, #tpu.memory_space<hbm>>
      tpu.wait_dma2 semaphore(%run_scoped3A : memref<!tpu.dma_semaphore, #tpu.memory_space<semaphore_mem>>) src(%arg9 : memref<16xf32, #tpu.memory_space<vmem>>) dst(%dma_wait3A_268 : memref<16xf32, #tpu.memory_space<hbm>>)
      tpu.yield
    }) : () -> ()
    return
  }
}

module attributes {stable_mosaic.version = 14 : i64} {
  func.func @_phase1_body(%arg0: i32, %arg1: memref<1x2x16800xf32, #tpu.memory_space<vmem>>, %arg2: memref<1x4x16800xf32, #tpu.memory_space<vmem>>, %arg3: memref<1x10x16800xf32, #tpu.memory_space<vmem>>, %arg4: memref<4x16800xf32, #tpu.memory_space<vmem>>, %arg5: memref<1x16x15xf32, #tpu.memory_space<vmem>>, %arg6: memref<1x1x16800xf32, #tpu.memory_space<vmem>>, %arg7: memref<1x1x128xf32, #tpu.memory_space<vmem>>, %arg8: memref<32x16800xf32, #tpu.memory_space<vmem>>) attributes {dimension_semantics = [#tpu.dimension_semantics<arbitrary>], iteration_bounds = array<i64: 32>, scalar_prefetch = 0 : i64, scratch_operands = 1 : i64, tpu.core_type = #tpu.core_type<tc>, window_params = [{transform_indices = @transform_0, window_bounds = array<i64: 1, 2, 16800>}, {transform_indices = @transform_1, window_bounds = array<i64: 1, 4, 16800>}, {transform_indices = @transform_2, window_bounds = array<i64: 1, 10, 16800>}, {pipeline_mode = #tpu.pipeline_mode<synchronous>, transform_indices = @transform_3, window_bounds = array<i64: 4, 16800>}, {transform_indices = @transform_4, window_bounds = array<i64: 1, 16, 15>}, {transform_indices = @transform_5, window_bounds = array<i64: 1, 1, 16800>}, {transform_indices = @transform_6, window_bounds = array<i64: 1, 1, 128>}]} {
    %eq3A = arith.constant 0 : i32
    %eq3A_0 = arith.cmpi eq, %arg0, %eq3A : i32
    %convert_element_type3A = arith.extui %eq3A_0 : i1 to i32
    %cond3A = arith.constant 0 : i32
    %cond3A_1 = arith.cmpi ne, %convert_element_type3A, %cond3A : i32
    scf.if %cond3A_1 {
      %get3A_278 = arith.constant 0 : index
      %get3A_279 = arith.constant 0 : index
      %get3A_280 = vector.load %arg4[%get3A_278, %get3A_279] : memref<4x16800xf32, #tpu.memory_space<vmem>>, vector<4x16800xf32>
      %slice3A_281 = vector.extract_strided_slice %get3A_280 {offsets = [0, 0], sizes = [1, 16800], strides = [1, 1]} : vector<4x16800xf32> to vector<1x16800xf32>
      %slice3A_282 = vector.extract_strided_slice %get3A_280 {offsets = [1, 0], sizes = [1, 16800], strides = [1, 1]} : vector<4x16800xf32> to vector<1x16800xf32>
      %slice3A_283 = vector.extract_strided_slice %get3A_280 {offsets = [2, 0], sizes = [1, 16800], strides = [1, 1]} : vector<4x16800xf32> to vector<1x16800xf32>
      %slice3A_284 = vector.extract_strided_slice %get3A_280 {offsets = [3, 0], sizes = [1, 16800], strides = [1, 1]} : vector<4x16800xf32> to vector<1x16800xf32>
      %mul3A_285 = arith.constant 5.000000e-01 : f32
      %mul3A_286 = vector.broadcast %mul3A_285 : f32 to vector<1x16800xf32>
      %mul3A_287 = arith.mulf %slice3A_283, %mul3A_286 : vector<1x16800xf32>
      %sub3A_288 = arith.subf %slice3A_281, %mul3A_287 : vector<1x16800xf32>
      %swap3A_289 = arith.constant 0 : index
      %swap3A_290 = arith.constant 0 : index
      %swap3A_291 = vector.load %arg8[%swap3A_289, %swap3A_290] : memref<32x16800xf32, #tpu.memory_space<vmem>>, vector<1x16800xf32>
      tpu.vector_store %arg8[%swap3A_289, %swap3A_290], %sub3A_288 {strides = array<i32>} : memref<32x16800xf32, #tpu.memory_space<vmem>>, vector<1x16800xf32>,
      %mul3A_292 = arith.constant 5.000000e-01 : f32
      %mul3A_293 = vector.broadcast %mul3A_292 : f32 to vector<1x16800xf32>
      %mul3A_294 = arith.mulf %slice3A_284, %mul3A_293 : vector<1x16800xf32>
      %sub3A_295 = arith.subf %slice3A_282, %mul3A_294 : vector<1x16800xf32>
      %swap3A_296 = arith.constant 1 : index
      %swap3A_297 = arith.constant 0 : index
      %swap3A_298 = vector.load %arg8[%swap3A_296, %swap3A_297] : memref<32x16800xf32, #tpu.memory_space<vmem>>, vector<1x16800xf32>
      tpu.vector_store %arg8[%swap3A_296, %swap3A_297], %sub3A_295 {strides = array<i32>} : memref<32x16800xf32, #tpu.memory_space<vmem>>, vector<1x16800xf32>,
      %mul3A_299 = arith.constant 5.000000e-01 : f32
      %mul3A_300 = vector.broadcast %mul3A_299 : f32 to vector<1x16800xf32>
      %mul3A_301 = arith.mulf %slice3A_283, %mul3A_300 : vector<1x16800xf32>
      %add3A_302 = arith.addf %slice3A_281, %mul3A_301 : vector<1x16800xf32>
      %swap3A_303 = arith.constant 2 : index
      %swap3A_304 = arith.constant 0 : index
      %swap3A_305 = vector.load %arg8[%swap3A_303, %swap3A_304] : memref<32x16800xf32, #tpu.memory_space<vmem>>, vector<1x16800xf32>
      tpu.vector_store %arg8[%swap3A_303, %swap3A_304], %add3A_302 {strides = array<i32>} : memref<32x16800xf32, #tpu.memory_space<vmem>>, vector<1x16800xf32>,
      %mul3A_306 = arith.constant 5.000000e-01 : f32
      %mul3A_307 = vector.broadcast %mul3A_306 : f32 to vector<1x16800xf32>
      %mul3A_308 = arith.mulf %slice3A_284, %mul3A_307 : vector<1x16800xf32>
      %add3A_309 = arith.addf %slice3A_282, %mul3A_308 : vector<1x16800xf32>
      %swap3A_310 = arith.constant 3 : index
      %swap3A_311 = arith.constant 0 : index
      %swap3A_312 = vector.load %arg8[%swap3A_310, %swap3A_311] : memref<32x16800xf32, #tpu.memory_space<vmem>>, vector<1x16800xf32>
      tpu.vector_store %arg8[%swap3A_310, %swap3A_311], %add3A_309 {strides = array<i32>} : memref<32x16800xf32, #tpu.memory_space<vmem>>, vector<1x16800xf32>,
      %mul3A_313 = arith.mulf %slice3A_283, %slice3A_284 : vector<1x16800xf32>
      %swap3A_314 = arith.constant 4 : index
      %swap3A_315 = arith.constant 0 : index
      %swap3A_316 = vector.load %arg8[%swap3A_314, %swap3A_315] : memref<32x16800xf32, #tpu.memory_space<vmem>>, vector<1x16800xf32>
      tpu.vector_store %arg8[%swap3A_314, %swap3A_315], %mul3A_313 {strides = array<i32>} : memref<32x16800xf32, #tpu.memory_space<vmem>>, vector<1x16800xf32>,
      %mul3A_317 = arith.constant 1.000000e-01 : f32
      %mul3A_318 = vector.broadcast %mul3A_317 : f32 to vector<1x16800xf32>
      %mul3A_319 = arith.mulf %mul3A_318, %slice3A_283 : vector<1x16800xf32>
      %div3A_320 = arith.constant 1.000000e+00 : f32
      %div3A_321 = vector.broadcast %div3A_320 : f32 to vector<1x16800xf32>
      %div3A_322 = arith.divf %div3A_321, %mul3A_319 : vector<1x16800xf32>
      %mul3A_323 = arith.constant 1.000000e-01 : f32
      %mul3A_324 = vector.broadcast %mul3A_323 : f32 to vector<1x16800xf32>
      %mul3A_325 = arith.mulf %mul3A_324, %slice3A_284 : vector<1x16800xf32>
      %div3A_326 = arith.constant 1.000000e+00 : f32
      %div3A_327 = vector.broadcast %div3A_326 : f32 to vector<1x16800xf32>
      %div3A_328 = arith.divf %div3A_327, %mul3A_325 : vector<1x16800xf32>
      %swap3A_329 = arith.constant 5 : index
      %swap3A_330 = arith.constant 0 : index
      %swap3A_331 = vector.load %arg8[%swap3A_329, %swap3A_330] : memref<32x16800xf32, #tpu.memory_space<vmem>>, vector<1x16800xf32>
      tpu.vector_store %arg8[%swap3A_329, %swap3A_330], %div3A_322 {strides = array<i32>} : memref<32x16800xf32, #tpu.memory_space<vmem>>, vector<1x16800xf32>,
      %swap3A_332 = arith.constant 6 : index
      %swap3A_333 = arith.constant 0 : index
      %swap3A_334 = vector.load %arg8[%swap3A_332, %swap3A_333] : memref<32x16800xf32, #tpu.memory_space<vmem>>, vector<1x16800xf32>
      tpu.vector_store %arg8[%swap3A_332, %swap3A_333], %div3A_328 {strides = array<i32>} : memref<32x16800xf32, #tpu.memory_space<vmem>>, vector<1x16800xf32>,
      %div3A_335 = arith.constant 1.000000e+00 : f32
      %div3A_336 = vector.broadcast %div3A_335 : f32 to vector<1x16800xf32>
      %div3A_337 = arith.divf %div3A_336, %slice3A_283 : vector<1x16800xf32>
      %swap3A_338 = arith.constant 7 : index
      %swap3A_339 = arith.constant 0 : index
      %swap3A_340 = vector.load %arg8[%swap3A_338, %swap3A_339] : memref<32x16800xf32, #tpu.memory_space<vmem>>, vector<1x16800xf32>
      tpu.vector_store %arg8[%swap3A_338, %swap3A_339], %div3A_337 {strides = array<i32>} : memref<32x16800xf32, #tpu.memory_space<vmem>>, vector<1x16800xf32>,
      %div3A_341 = arith.constant 1.000000e+00 : f32
      %div3A_342 = vector.broadcast %div3A_341 : f32 to vector<1x16800xf32>
      %div3A_343 = arith.divf %div3A_342, %slice3A_284 : vector<1x16800xf32>
      %swap3A_344 = arith.constant 8 : index
      %swap3A_345 = arith.constant 0 : index
      %swap3A_346 = vector.load %arg8[%swap3A_344, %swap3A_345] : memref<32x16800xf32, #tpu.memory_space<vmem>>, vector<1x16800xf32>
      tpu.vector_store %arg8[%swap3A_344, %swap3A_345], %div3A_343 {strides = array<i32>} : memref<32x16800xf32, #tpu.memory_space<vmem>>, vector<1x16800xf32>,
      %concatenate3A_347 = tpu.concatenate %slice3A_281, %slice3A_282, %slice3A_281, %slice3A_282, %slice3A_281, %slice3A_282, %slice3A_281, %slice3A_282, %slice3A_281, %slice3A_282 in 0 : vector<1x16800xf32>, vector<1x16800xf32>, vector<1x16800xf32>, vector<1x16800xf32>, vector<1x16800xf32>, vector<1x16800xf32>, vector<1x16800xf32>, vector<1x16800xf32>, vector<1x16800xf32>, vector<1x16800xf32> -> vector<10x16800xf32>
      %swap3A_348 = arith.constant 9 : index
      %swap3A_349 = arith.constant 0 : index
      %swap3A_350 = vector.load %arg8[%swap3A_348, %swap3A_349] : memref<32x16800xf32, #tpu.memory_space<vmem>>, vector<10x16800xf32>
      tpu.vector_store %arg8[%swap3A_348, %swap3A_349], %concatenate3A_347 {strides = array<i32>} : memref<32x16800xf32, #tpu.memory_space<vmem>>, vector<10x16800xf32>,
      %concatenate3A_351 = tpu.concatenate %div3A_322, %div3A_328, %div3A_322, %div3A_328, %div3A_322, %div3A_328, %div3A_322, %div3A_328, %div3A_322, %div3A_328 in 0 : vector<1x16800xf32>, vector<1x16800xf32>, vector<1x16800xf32>, vector<1x16800xf32>, vector<1x16800xf32>, vector<1x16800xf32>, vector<1x16800xf32>, vector<1x16800xf32>, vector<1x16800xf32>, vector<1x16800xf32> -> vector<10x16800xf32>
      %swap3A_352 = arith.constant 19 : index
      %swap3A_353 = arith.constant 0 : index
      %swap3A_354 = vector.load %arg8[%swap3A_352, %swap3A_353] : memref<32x16800xf32, #tpu.memory_space<vmem>>, vector<10x16800xf32>
      tpu.vector_store %arg8[%swap3A_352, %swap3A_353], %concatenate3A_351 {strides = array<i32>} : memref<32x16800xf32, #tpu.memory_space<vmem>>, vector<10x16800xf32>,
    } else {
    }
    %get3A = arith.constant 0 : index
    %get3A_2 = arith.constant 0 : index
    %get3A_3 = vector.load %arg4[%get3A, %get3A_2] : memref<4x16800xf32, #tpu.memory_space<vmem>>, vector<4x16800xf32>
    %slice3A = vector.extract_strided_slice %get3A_3 {offsets = [0, 0], sizes = [1, 16800], strides = [1, 1]} : vector<4x16800xf32> to vector<1x16800xf32>
    %slice3A_4 = vector.extract_strided_slice %get3A_3 {offsets = [1, 0], sizes = [1, 16800], strides = [1, 1]} : vector<4x16800xf32> to vector<1x16800xf32>
    %get3A_5 = arith.constant 0 : index
    %get3A_6 = arith.constant 0 : index
    %get3A_7 = vector.load %arg8[%get3A_5, %get3A_6] : memref<32x16800xf32, #tpu.memory_space<vmem>>, vector<1x16800xf32>
    %get3A_8 = arith.constant 1 : index
    %get3A_9 = arith.constant 0 : index
    %get3A_10 = vector.load %arg8[%get3A_8, %get3A_9] : memref<32x16800xf32, #tpu.memory_space<vmem>>, vector<1x16800xf32>
    %get3A_11 = arith.constant 2 : index
    %get3A_12 = arith.constant 0 : index
    %get3A_13 = vector.load %arg8[%get3A_11, %get3A_12] : memref<32x16800xf32, #tpu.memory_space<vmem>>, vector<1x16800xf32>
    %get3A_14 = arith.constant 3 : index
    %get3A_15 = arith.constant 0 : index
    %get3A_16 = vector.load %arg8[%get3A_14, %get3A_15] : memref<32x16800xf32, #tpu.memory_space<vmem>>, vector<1x16800xf32>
    %get3A_17 = arith.constant 0 : index
    %get3A_18 = arith.constant 0 : index
    %get3A_19 = arith.constant 0 : index
    %get3A_20 = vector.load %arg5[%get3A_17, %get3A_18, %get3A_19] : memref<1x16x15xf32, #tpu.memory_space<vmem>>, vector<1x16x15xf32>
    %get3A_21 = vector.shape_cast %get3A_20 : vector<1x16x15xf32> to vector<16x15xf32>
    %slice3A_22 = vector.extract_strided_slice %get3A_21 {offsets = [0, 0], sizes = [16, 1], strides = [1, 1]} : vector<16x15xf32> to vector<16x1xf32>
    %slice3A_23 = vector.extract_strided_slice %get3A_21 {offsets = [0, 1], sizes = [16, 1], strides = [1, 1]} : vector<16x15xf32> to vector<16x1xf32>
    %slice3A_24 = vector.extract_strided_slice %get3A_21 {offsets = [0, 2], sizes = [16, 1], strides = [1, 1]} : vector<16x15xf32> to vector<16x1xf32>
    %slice3A_25 = vector.extract_strided_slice %get3A_21 {offsets = [0, 3], sizes = [16, 1], strides = [1, 1]} : vector<16x15xf32> to vector<16x1xf32>
    %min3A = vector.broadcast %slice3A_24 : vector<16x1xf32> to vector<16x16800xf32>
    %min3A_26 = vector.broadcast %get3A_13 : vector<1x16800xf32> to vector<16x16800xf32>
    %min3A_27 = arith.minimumf %min3A, %min3A_26 : vector<16x16800xf32>
    %max3A = vector.broadcast %slice3A_22 : vector<16x1xf32> to vector<16x16800xf32>
    %max3A_28 = vector.broadcast %get3A_7 : vector<1x16800xf32> to vector<16x16800xf32>
    %max3A_29 = arith.maximumf %max3A, %max3A_28 : vector<16x16800xf32>
    %sub3A = arith.subf %min3A_27, %max3A_29 : vector<16x16800xf32>
    %max3A_30 = arith.constant 0.000000e+00 : f32
    %max3A_31 = vector.broadcast %max3A_30 : f32 to vector<16x16800xf32>
    %max3A_32 = arith.maximumf %sub3A, %max3A_31 : vector<16x16800xf32>
    %min3A_33 = vector.broadcast %slice3A_25 : vector<16x1xf32> to vector<16x16800xf32>
    %min3A_34 = vector.broadcast %get3A_16 : vector<1x16800xf32> to vector<16x16800xf32>
    %min3A_35 = arith.minimumf %min3A_33, %min3A_34 : vector<16x16800xf32>
    %max3A_36 = vector.broadcast %slice3A_23 : vector<16x1xf32> to vector<16x16800xf32>
    %max3A_37 = vector.broadcast %get3A_10 : vector<1x16800xf32> to vector<16x16800xf32>
    %max3A_38 = arith.maximumf %max3A_36, %max3A_37 : vector<16x16800xf32>
    %sub3A_39 = arith.subf %min3A_35, %max3A_38 : vector<16x16800xf32>
    %max3A_40 = arith.constant 0.000000e+00 : f32
    %max3A_41 = vector.broadcast %max3A_40 : f32 to vector<16x16800xf32>
    %max3A_42 = arith.maximumf %sub3A_39, %max3A_41 : vector<16x16800xf32>
    %mul3A = arith.mulf %max3A_32, %max3A_42 : vector<16x16800xf32>
    %sub3A_43 = arith.subf %slice3A_24, %slice3A_22 : vector<16x1xf32>
    %sub3A_44 = arith.subf %slice3A_25, %slice3A_23 : vector<16x1xf32>
    %mul3A_45 = arith.mulf %sub3A_43, %sub3A_44 : vector<16x1xf32>
    %get3A_46 = arith.constant 4 : index
    %get3A_47 = arith.constant 0 : index
    %get3A_48 = vector.load %arg8[%get3A_46, %get3A_47] : memref<32x16800xf32, #tpu.memory_space<vmem>>, vector<1x16800xf32>
    %add3A = vector.broadcast %mul3A_45 : vector<16x1xf32> to vector<16x16800xf32>
    %add3A_49 = vector.broadcast %get3A_48 : vector<1x16800xf32> to vector<16x16800xf32>
    %add3A_50 = arith.addf %add3A, %add3A_49 : vector<16x16800xf32>
    %sub3A_51 = arith.subf %add3A_50, %mul3A : vector<16x16800xf32>
    %div3A = arith.divf %mul3A, %sub3A_51 : vector<16x16800xf32>
    %iota3A = tpu.iota {dimensions = array<i32: 0>} : vector<16x16800xi32>
    %iota3A_52 = tpu.iota {dimensions = array<i32: 1>} : vector<16x16800xi32>
    %reduce_max3A = arith.constant dense<0xFF800000> : vector<16800xf32>
    %reduce_max3A_53 = vector.multi_reduction <maximumf>, %div3A, %reduce_max3A [0] : vector<16x16800xf32> to vector<16800xf32>
    %broadcast_in_dim3A = vector.shape_cast %reduce_max3A_53 : vector<16800xf32> to vector<1x16800xf32>
    %eq3A_54 = vector.broadcast %broadcast_in_dim3A : vector<1x16800xf32> to vector<16x16800xf32>
    %eq3A_55 = arith.cmpf oeq, %div3A, %eq3A_54 : vector<16x16800xf32>
    %jit3A = arith.constant 16 : i32
    %broadcast_in_dim3A_56 = vector.broadcast %jit3A : i32 to vector<16x16800xi32>
    %select_n3A = arith.select %eq3A_55, %iota3A, %broadcast_in_dim3A_56 : vector<16x16800xi1>, vector<16x16800xi32>
    %reduce_min3A = arith.constant dense<2147483647> : vector<16800xi32>
    %reduce_min3A_57 = vector.multi_reduction <minsi>, %select_n3A, %reduce_min3A [0] : vector<16x16800xi32> to vector<16800xi32>
    %broadcast_in_dim3A_58 = vector.shape_cast %reduce_min3A_57 : vector<16800xi32> to vector<1x16800xi32>
    %reduce_max3A_59 = arith.constant dense<0xFF800000> : vector<16xf32>
    %reduce_max3A_60 = vector.multi_reduction <maximumf>, %div3A, %reduce_max3A_59 [1] : vector<16x16800xf32> to vector<16xf32>
    %broadcast_in_dim3A_61 = vector.shape_cast %reduce_max3A_60 : vector<16xf32> to vector<16x1xf32>
    %eq3A_62 = vector.broadcast %broadcast_in_dim3A_61 : vector<16x1xf32> to vector<16x16800xf32>
    %eq3A_63 = arith.cmpf oeq, %div3A, %eq3A_62 : vector<16x16800xf32>
    %jit3A_64 = arith.constant 16800 : i32
    %broadcast_in_dim3A_65 = vector.broadcast %jit3A_64 : i32 to vector<16x16800xi32>
    %select_n3A_66 = arith.select %eq3A_63, %iota3A_52, %broadcast_in_dim3A_65 : vector<16x16800xi1>, vector<16x16800xi32>
    %reduce_min3A_67 = arith.constant dense<2147483647> : vector<16xi32>
    %reduce_min3A_68 = vector.multi_reduction <minsi>, %select_n3A_66, %reduce_min3A_67 [1] : vector<16x16800xi32> to vector<16xi32>
    %broadcast_in_dim3A_69 = vector.shape_cast %reduce_min3A_68 : vector<16xi32> to vector<16x1xi32>
    %ge3A = arith.constant 2.000000e-01 : f32
    %ge3A_70 = vector.broadcast %ge3A : f32 to vector<16x1xf32>
    %ge3A_71 = arith.cmpf oge, %broadcast_in_dim3A_61, %ge3A_70 : vector<16x1xf32>
    %eq3A_72 = vector.broadcast %broadcast_in_dim3A_69 : vector<16x1xi32> to vector<16x16800xi32>
    %eq3A_73 = arith.cmpi eq, %eq3A_72, %iota3A_52 : vector<16x16800xi32>
    %mul3A_74 = arith.constant 2 : i32
    %mul3A_75 = vector.broadcast %mul3A_74 : i32 to vector<16x16800xi32>
    %mul3A_76 = arith.muli %mul3A_75, %iota3A : vector<16x16800xi32>
    %convert_element_type3A_77 = arith.extui %ge3A_71 : vector<16x1xi1> to vector<16x1xi32>
    %add3A_78 = vector.broadcast %convert_element_type3A_77 : vector<16x1xi32> to vector<16x16800xi32>
    %add3A_79 = arith.addi %mul3A_76, %add3A_78 : vector<16x16800xi32>
    %jit3A_80 = arith.constant -1 : i32
    %broadcast_in_dim3A_81 = vector.broadcast %jit3A_80 : i32 to vector<16x16800xi32>
    %select_n3A_82 = arith.select %eq3A_73, %add3A_79, %broadcast_in_dim3A_81 : vector<16x16800xi1>, vector<16x16800xi32>
    %reduce_max3A_83 = arith.constant dense<-2147483648> : vector<16800xi32>
    %reduce_max3A_84 = vector.multi_reduction <maxsi>, %select_n3A_82, %reduce_max3A_83 [0] : vector<16x16800xi32> to vector<16800xi32>
    %broadcast_in_dim3A_85 = vector.shape_cast %reduce_max3A_84 : vector<16800xi32> to vector<1x16800xi32>
    %ge3A_86 = arith.constant 0 : i32
    %ge3A_87 = vector.broadcast %ge3A_86 : i32 to vector<1x16800xi32>
    %ge3A_88 = arith.cmpi sge, %broadcast_in_dim3A_85, %ge3A_87 : vector<1x16800xi32>
    %max3A_89 = arith.constant 0 : i32
    %max3A_90 = vector.broadcast %max3A_89 : i32 to vector<1x16800xi32>
    %max3A_91 = arith.maxsi %broadcast_in_dim3A_85, %max3A_90 : vector<1x16800xi32>
    %shift_right_logical3A = arith.constant 1 : i32
    %shift_right_logical3A_92 = vector.broadcast %shift_right_logical3A : i32 to vector<1x16800xi32>
    %shift_right_logical3A_93 = arith.shrui %max3A_91, %shift_right_logical3A_92 : vector<1x16800xi32>
    %and3A = arith.constant 1 : i32
    %and3A_94 = vector.broadcast %and3A : i32 to vector<1x16800xi32>
    %and3A_95 = arith.andi %broadcast_in_dim3A_85, %and3A_94 : vector<1x16800xi32>
    %eq3A_96 = arith.constant 1 : i32
    %eq3A_97 = vector.broadcast %eq3A_96 : i32 to vector<1x16800xi32>
    %eq3A_98 = arith.cmpi eq, %and3A_95, %eq3A_97 : vector<1x16800xi32>
    %and3A_99 = arith.andi %ge3A_88, %eq3A_98 : vector<1x16800xi1>
    %jit3A_100 = arith.constant 2.000000e+00 : f32
    %broadcast_in_dim3A_101 = vector.broadcast %jit3A_100 : f32 to vector<1x16800xf32>
    %select_n3A_102 = arith.select %and3A_99, %broadcast_in_dim3A_101, %broadcast_in_dim3A : vector<1x16800xi1>, vector<1x16800xf32>
    %select_n3A_103 = arith.select %ge3A_88, %shift_right_logical3A_93, %broadcast_in_dim3A_58 : vector<1x16800xi1>, vector<1x16800xi32>
    %eq3A_104 = vector.broadcast %select_n3A_103 : vector<1x16800xi32> to vector<16x16800xi32>
    %eq3A_105 = arith.cmpi eq, %iota3A, %eq3A_104 : vector<16x16800xi32>
    %convert_element_type3A_106 = arith.extui %eq3A_105 : vector<16x16800xi1> to vector<16x16800xi32>
    %convert_element_type3A_107 = arith.sitofp %convert_element_type3A_106 : vector<16x16800xi32> to vector<16x16800xf32>
    %dot_general3A = arith.constant dense<0.000000e+00> : vector<15x16800xf32>
    %dot_general3A_108 = tpu.matmul %get3A_21, %convert_element_type3A_107, %dot_general3A {dimension_numbers = #tpu.dot_dimension_numbers<[0], [0], [1], [1], [0, 1, 1, 1], [], []>, precision = #tpu.contract_precision<fp32>, transpose_lhs_hint = false} : vector<16x15xf32>, vector<16x16800xf32>, vector<15x16800xf32> -> vector<15x16800xf32>
    %slice3A_109 = vector.extract_strided_slice %dot_general3A_108 {offsets = [14, 0], sizes = [1, 16800], strides = [1, 1]} : vector<15x16800xf32> to vector<1x16800xf32>
    %lt3A = arith.constant 3.500000e-01 : f32
    %lt3A_110 = vector.broadcast %lt3A : f32 to vector<1x16800xf32>
    %lt3A_111 = arith.cmpf olt, %select_n3A_102, %lt3A_110 : vector<1x16800xf32>
    %convert_element_type3A_112 = arith.fptosi %slice3A_109 : vector<1x16800xf32> to vector<1x16800xi32>
    %jit3A_113 = arith.constant 0 : i32
    %broadcast_in_dim3A_114 = vector.broadcast %jit3A_113 : i32 to vector<1x16800xi32>
    %select_n3A_115 = arith.select %lt3A_111, %broadcast_in_dim3A_114, %convert_element_type3A_112 : vector<1x16800xi1>, vector<1x16800xi32>
    %ne3A = arith.constant 0 : i32
    %ne3A_116 = vector.broadcast %ne3A : i32 to vector<1x16800xi32>
    %ne3A_117 = arith.cmpi ne, %select_n3A_115, %ne3A_116 : vector<1x16800xi32>
    %convert_element_type3A_118 = arith.extui %ne3A_117 : vector<1x16800xi1> to vector<1x16800xi32>
    %convert_element_type3A_119 = arith.sitofp %convert_element_type3A_118 : vector<1x16800xi32> to vector<1x16800xf32>
    %slice3A_120 = vector.extract_strided_slice %dot_general3A_108 {offsets = [0, 0], sizes = [1, 16800], strides = [1, 1]} : vector<15x16800xf32> to vector<1x16800xf32>
    %slice3A_121 = vector.extract_strided_slice %dot_general3A_108 {offsets = [1, 0], sizes = [1, 16800], strides = [1, 1]} : vector<15x16800xf32> to vector<1x16800xf32>
    %slice3A_122 = vector.extract_strided_slice %dot_general3A_108 {offsets = [2, 0], sizes = [1, 16800], strides = [1, 1]} : vector<15x16800xf32> to vector<1x16800xf32>
    %slice3A_123 = vector.extract_strided_slice %dot_general3A_108 {offsets = [3, 0], sizes = [1, 16800], strides = [1, 1]} : vector<15x16800xf32> to vector<1x16800xf32>
    %add3A_124 = arith.addf %slice3A_120, %slice3A_122 : vector<1x16800xf32>
    %mul3A_125 = arith.constant 5.000000e-01 : f32
    %mul3A_126 = vector.broadcast %mul3A_125 : f32 to vector<1x16800xf32>
    %mul3A_127 = arith.mulf %add3A_124, %mul3A_126 : vector<1x16800xf32>
    %sub3A_128 = arith.subf %mul3A_127, %slice3A : vector<1x16800xf32>
    %get3A_129 = arith.constant 5 : index
    %get3A_130 = arith.constant 0 : index
    %get3A_131 = vector.load %arg8[%get3A_129, %get3A_130] : memref<32x16800xf32, #tpu.memory_space<vmem>>, vector<1x16800xf32>
    %mul3A_132 = arith.mulf %sub3A_128, %get3A_131 : vector<1x16800xf32>
    %add3A_133 = arith.addf %slice3A_121, %slice3A_123 : vector<1x16800xf32>
    %mul3A_134 = arith.constant 5.000000e-01 : f32
    %mul3A_135 = vector.broadcast %mul3A_134 : f32 to vector<1x16800xf32>
    %mul3A_136 = arith.mulf %add3A_133, %mul3A_135 : vector<1x16800xf32>
    %sub3A_137 = arith.subf %mul3A_136, %slice3A_4 : vector<1x16800xf32>
    %get3A_138 = arith.constant 6 : index
    %get3A_139 = arith.constant 0 : index
    %get3A_140 = vector.load %arg8[%get3A_138, %get3A_139] : memref<32x16800xf32, #tpu.memory_space<vmem>>, vector<1x16800xf32>
    %mul3A_141 = arith.mulf %sub3A_137, %get3A_140 : vector<1x16800xf32>
    %sub3A_142 = arith.subf %slice3A_122, %slice3A_120 : vector<1x16800xf32>
    %get3A_143 = arith.constant 7 : index
    %get3A_144 = arith.constant 0 : index
    %get3A_145 = vector.load %arg8[%get3A_143, %get3A_144] : memref<32x16800xf32, #tpu.memory_space<vmem>>, vector<1x16800xf32>
    %mul3A_146 = arith.mulf %sub3A_142, %get3A_145 : vector<1x16800xf32>
    %log3A = math.log %mul3A_146 : vector<1x16800xf32>
    %mul3A_147 = arith.constant 5.000000e+00 : f32
    %mul3A_148 = vector.broadcast %mul3A_147 : f32 to vector<1x16800xf32>
    %mul3A_149 = arith.mulf %log3A, %mul3A_148 : vector<1x16800xf32>
    %sub3A_150 = arith.subf %slice3A_123, %slice3A_121 : vector<1x16800xf32>
    %get3A_151 = arith.constant 8 : index
    %get3A_152 = arith.constant 0 : index
    %get3A_153 = vector.load %arg8[%get3A_151, %get3A_152] : memref<32x16800xf32, #tpu.memory_space<vmem>>, vector<1x16800xf32>
    %mul3A_154 = arith.mulf %sub3A_150, %get3A_153 : vector<1x16800xf32>
    %log3A_155 = math.log %mul3A_154 : vector<1x16800xf32>
    %mul3A_156 = arith.constant 5.000000e+00 : f32
    %mul3A_157 = vector.broadcast %mul3A_156 : f32 to vector<1x16800xf32>
    %mul3A_158 = arith.mulf %log3A_155, %mul3A_157 : vector<1x16800xf32>
    %concatenate3A = tpu.concatenate %mul3A_132, %mul3A_141, %mul3A_149, %mul3A_158 in 0 : vector<1x16800xf32>, vector<1x16800xf32>, vector<1x16800xf32>, vector<1x16800xf32> -> vector<4x16800xf32>
    %get3A_159 = arith.constant 0 : index
    %get3A_160 = arith.constant 0 : index
    %get3A_161 = arith.constant 0 : index
    %get3A_162 = vector.load %arg2[%get3A_159, %get3A_160, %get3A_161] : memref<1x4x16800xf32, #tpu.memory_space<vmem>>, vector<1x4x16800xf32>
    %get3A_163 = vector.shape_cast %get3A_162 : vector<1x4x16800xf32> to vector<4x16800xf32>
    %sub3A_164 = arith.subf %get3A_163, %concatenate3A : vector<4x16800xf32>
    %abs3A = math.absf %sub3A_164 : vector<4x16800xf32>
    %lt3A_165 = arith.constant 1.000000e+00 : f32
    %lt3A_166 = vector.broadcast %lt3A_165 : f32 to vector<4x16800xf32>
    %lt3A_167 = arith.cmpf olt, %abs3A, %lt3A_166 : vector<4x16800xf32>
    %mul3A_168 = arith.constant 5.000000e-01 : f32
    %mul3A_169 = vector.broadcast %mul3A_168 : f32 to vector<4x16800xf32>
    %mul3A_170 = arith.mulf %mul3A_169, %sub3A_164 : vector<4x16800xf32>
    %mul3A_171 = arith.mulf %mul3A_170, %sub3A_164 : vector<4x16800xf32>
    %sub3A_172 = arith.constant 5.000000e-01 : f32
    %sub3A_173 = vector.broadcast %sub3A_172 : f32 to vector<4x16800xf32>
    %sub3A_174 = arith.subf %abs3A, %sub3A_173 : vector<4x16800xf32>
    %select_n3A_175 = arith.select %lt3A_167, %mul3A_171, %sub3A_174 : vector<4x16800xi1>, vector<4x16800xf32>
    %mul3A_176 = vector.broadcast %convert_element_type3A_119 : vector<1x16800xf32> to vector<4x16800xf32>
    %mul3A_177 = arith.mulf %select_n3A_175, %mul3A_176 : vector<4x16800xf32>
    %reduce_sum3A = vector.shape_cast %mul3A_177 : vector<4x16800xf32> to vector<1x4x16800xf32>
    %reduce_sum3A_178 = arith.constant dense<0.000000e+00> : vector<1xf32>
    %reduce_sum3A_179 = vector.multi_reduction <add>, %reduce_sum3A, %reduce_sum3A_178 [1, 2] : vector<1x4x16800xf32> to vector<1xf32>
    %reduce_sum3A_180 = vector.shape_cast %reduce_sum3A_179 : vector<1xf32> to vector<1x1x1xf32>
    %reduce_sum3A_181 = vector.extract %reduce_sum3A_180[0, 0, 0] : f32 from vector<1x1x1xf32>
    %slice3A_182 = vector.extract_strided_slice %dot_general3A_108 {offsets = [4, 0], sizes = [10, 16800], strides = [1, 1]} : vector<15x16800xf32> to vector<10x16800xf32>
    %get3A_183 = arith.constant 9 : index
    %get3A_184 = arith.constant 0 : index
    %get3A_185 = vector.load %arg8[%get3A_183, %get3A_184] : memref<32x16800xf32, #tpu.memory_space<vmem>>, vector<10x16800xf32>
    %sub3A_186 = arith.subf %slice3A_182, %get3A_185 : vector<10x16800xf32>
    %get3A_187 = arith.constant 19 : index
    %get3A_188 = arith.constant 0 : index
    %get3A_189 = vector.load %arg8[%get3A_187, %get3A_188] : memref<32x16800xf32, #tpu.memory_space<vmem>>, vector<10x16800xf32>
    %mul3A_190 = arith.mulf %sub3A_186, %get3A_189 : vector<10x16800xf32>
    %get3A_191 = arith.constant 0 : index
    %get3A_192 = arith.constant 0 : index
    %get3A_193 = arith.constant 0 : index
    %get3A_194 = vector.load %arg3[%get3A_191, %get3A_192, %get3A_193] : memref<1x10x16800xf32, #tpu.memory_space<vmem>>, vector<1x10x16800xf32>
    %get3A_195 = vector.shape_cast %get3A_194 : vector<1x10x16800xf32> to vector<10x16800xf32>
    %sub3A_196 = arith.subf %get3A_195, %mul3A_190 : vector<10x16800xf32>
    %abs3A_197 = math.absf %sub3A_196 : vector<10x16800xf32>
    %lt3A_198 = arith.constant 1.000000e+00 : f32
    %lt3A_199 = vector.broadcast %lt3A_198 : f32 to vector<10x16800xf32>
    %lt3A_200 = arith.cmpf olt, %abs3A_197, %lt3A_199 : vector<10x16800xf32>
    %mul3A_201 = arith.constant 5.000000e-01 : f32
    %mul3A_202 = vector.broadcast %mul3A_201 : f32 to vector<10x16800xf32>
    %mul3A_203 = arith.mulf %mul3A_202, %sub3A_196 : vector<10x16800xf32>
    %mul3A_204 = arith.mulf %mul3A_203, %sub3A_196 : vector<10x16800xf32>
    %sub3A_205 = arith.constant 5.000000e-01 : f32
    %sub3A_206 = vector.broadcast %sub3A_205 : f32 to vector<10x16800xf32>
    %sub3A_207 = arith.subf %abs3A_197, %sub3A_206 : vector<10x16800xf32>
    %select_n3A_208 = arith.select %lt3A_200, %mul3A_204, %sub3A_207 : vector<10x16800xi1>, vector<10x16800xf32>
    %mul3A_209 = vector.broadcast %convert_element_type3A_119 : vector<1x16800xf32> to vector<10x16800xf32>
    %mul3A_210 = arith.mulf %select_n3A_208, %mul3A_209 : vector<10x16800xf32>
    %reduce_sum3A_211 = vector.shape_cast %mul3A_210 : vector<10x16800xf32> to vector<1x10x16800xf32>
    %reduce_sum3A_212 = arith.constant dense<0.000000e+00> : vector<1xf32>
    %reduce_sum3A_213 = vector.multi_reduction <add>, %reduce_sum3A_211, %reduce_sum3A_212 [1, 2] : vector<1x10x16800xf32> to vector<1xf32>
    %reduce_sum3A_214 = vector.shape_cast %reduce_sum3A_213 : vector<1xf32> to vector<1x1x1xf32>
    %reduce_sum3A_215 = vector.extract %reduce_sum3A_214[0, 0, 0] : f32 from vector<1x1x1xf32>
    %get3A_216 = arith.constant 0 : index
    %get3A_217 = arith.constant 0 : index
    %get3A_218 = arith.constant 0 : index
    %get3A_219 = vector.load %arg1[%get3A_216, %get3A_217, %get3A_218] : memref<1x2x16800xf32, #tpu.memory_space<vmem>>, vector<1x1x16800xf32>
    %get3A_220 = vector.shape_cast %get3A_219 : vector<1x1x16800xf32> to vector<1x16800xf32>
    %get3A_221 = arith.constant 0 : index
    %get3A_222 = arith.constant 1 : index
    %get3A_223 = arith.constant 0 : index
    %get3A_224 = vector.load %arg1[%get3A_221, %get3A_222, %get3A_223] : memref<1x2x16800xf32, #tpu.memory_space<vmem>>, vector<1x1x16800xf32>
    %get3A_225 = vector.shape_cast %get3A_224 : vector<1x1x16800xf32> to vector<1x16800xf32>
    %max3A_226 = arith.maximumf %get3A_220, %get3A_225 : vector<1x16800xf32>
    %sub3A_227 = arith.subf %get3A_220, %max3A_226 : vector<1x16800xf32>
    %exp3A = math.exp %sub3A_227 : vector<1x16800xf32>
    %sub3A_228 = arith.subf %get3A_225, %max3A_226 : vector<1x16800xf32>
    %exp3A_229 = math.exp %sub3A_228 : vector<1x16800xf32>
    %add3A_230 = arith.addf %exp3A, %exp3A_229 : vector<1x16800xf32>
    %log3A_231 = math.log %add3A_230 : vector<1x16800xf32>
    %add3A_232 = arith.addf %max3A_226, %log3A_231 : vector<1x16800xf32>
    %eq3A_233 = arith.constant 0 : i32
    %eq3A_234 = vector.broadcast %eq3A_233 : i32 to vector<1x16800xi32>
    %eq3A_235 = arith.cmpi eq, %select_n3A_115, %eq3A_234 : vector<1x16800xi32>
    %select_n3A_236 = arith.select %eq3A_235, %get3A_220, %get3A_225 : vector<1x16800xi1>, vector<1x16800xf32>
    %sub3A_237 = arith.subf %add3A_232, %select_n3A_236 : vector<1x16800xf32>
    %reduce_sum3A_238 = vector.shape_cast %convert_element_type3A_119 : vector<1x16800xf32> to vector<1x1x16800xf32>
    %reduce_sum3A_239 = arith.constant dense<0.000000e+00> : vector<1xf32>
    %reduce_sum3A_240 = vector.multi_reduction <add>, %reduce_sum3A_238, %reduce_sum3A_239 [1, 2] : vector<1x1x16800xf32> to vector<1xf32>
    %reduce_sum3A_241 = vector.shape_cast %reduce_sum3A_240 : vector<1xf32> to vector<1x1x1xf32>
    %reduce_sum3A_242 = vector.extract %reduce_sum3A_241[0, 0, 0] : f32 from vector<1x1x1xf32>
    %ne3A_243 = arith.constant 0 : i32
    %ne3A_244 = vector.broadcast %ne3A_243 : i32 to vector<1x16800xi32>
    %ne3A_245 = arith.cmpi ne, %select_n3A_115, %ne3A_244 : vector<1x16800xi32>
    %neg3A = arith.constant 0.000000e+00 : f32
    %neg3A_246 = vector.broadcast %neg3A : f32 to vector<1x16800xf32>
    %neg3A_247 = arith.subf %neg3A_246, %sub3A_237 : vector<1x16800xf32>
    %select_n3A_248 = arith.select %ne3A_245, %neg3A_247, %sub3A_237 : vector<1x16800xi1>, vector<1x16800xf32>
    %swap3A = arith.constant 0 : index
    %swap3A_249 = arith.constant 0 : index
    %swap3A_250 = arith.constant 0 : index
    %swap3A_251 = vector.load %arg6[%swap3A, %swap3A_249, %swap3A_250] : memref<1x1x16800xf32, #tpu.memory_space<vmem>>, vector<1x1x16800xf32>
    %swap3A_252 = vector.shape_cast %swap3A_251 : vector<1x1x16800xf32> to vector<1x16800xf32>
    %swap3A_253 = vector.shape_cast %select_n3A_248 : vector<1x16800xf32> to vector<1x1x16800xf32>
    tpu.vector_store %arg6[%swap3A, %swap3A_249, %swap3A_250], %swap3A_253 {strides = array<i32>} : memref<1x1x16800xf32, #tpu.memory_space<vmem>>, vector<1x1x16800xf32>,
    %iota3A_254 = tpu.iota {dimensions = array<i32: 1>} : vector<1x128xi32>
    %eq3A_255 = arith.constant 0 : i32
    %eq3A_256 = vector.broadcast %eq3A_255 : i32 to vector<1x128xi32>
    %eq3A_257 = arith.cmpi eq, %iota3A_254, %eq3A_256 : vector<1x128xi32>
    %eq3A_258 = arith.constant 1 : i32
    %eq3A_259 = vector.broadcast %eq3A_258 : i32 to vector<1x128xi32>
    %eq3A_260 = arith.cmpi eq, %iota3A_254, %eq3A_259 : vector<1x128xi32>
    %eq3A_261 = arith.constant 2 : i32
    %eq3A_262 = vector.broadcast %eq3A_261 : i32 to vector<1x128xi32>
    %eq3A_263 = arith.cmpi eq, %iota3A_254, %eq3A_262 : vector<1x128xi32>
    %jit3A_264 = arith.constant 0.000000e+00 : f32
    %broadcast_in_dim3A_265 = vector.broadcast %reduce_sum3A_242 : f32 to vector<1x128xf32>
    %broadcast_in_dim3A_266 = vector.broadcast %jit3A_264 : f32 to vector<1x128xf32>
    %select_n3A_267 = arith.select %eq3A_263, %broadcast_in_dim3A_265, %broadcast_in_dim3A_266 : vector<1x128xi1>, vector<1x128xf32>
    %broadcast_in_dim3A_268 = vector.broadcast %reduce_sum3A_215 : f32 to vector<1x128xf32>
    %select_n3A_269 = arith.select %eq3A_260, %broadcast_in_dim3A_268, %select_n3A_267 : vector<1x128xi1>, vector<1x128xf32>
    %broadcast_in_dim3A_270 = vector.broadcast %reduce_sum3A_181 : f32 to vector<1x128xf32>
    %select_n3A_271 = arith.select %eq3A_257, %broadcast_in_dim3A_270, %select_n3A_269 : vector<1x128xi1>, vector<1x128xf32>
    %swap3A_272 = arith.constant 0 : index
    %swap3A_273 = arith.constant 0 : index
    %swap3A_274 = arith.constant 0 : index
    %swap3A_275 = vector.load %arg7[%swap3A_272, %swap3A_273, %swap3A_274] : memref<1x1x128xf32, #tpu.memory_space<vmem>>, vector<1x1x128xf32>
    %swap3A_276 = vector.shape_cast %swap3A_275 : vector<1x1x128xf32> to vector<1x128xf32>
    %swap3A_277 = vector.shape_cast %select_n3A_271 : vector<1x128xf32> to vector<1x1x128xf32>
    tpu.vector_store %arg7[%swap3A_272, %swap3A_273, %swap3A_274], %swap3A_277 {strides = array<i32>} : memref<1x1x128xf32, #tpu.memory_space<vmem>>, vector<1x1x128xf32>,
    return
  }
  func.func @transform_0(%arg0: i32) -> (i32, i32, i32) {
    %c0_i32 = arith.constant 0 : i32
    %c0_i32_0 = arith.constant 0 : i32
    %c0_i32_1 = arith.constant 0 : i32
    return %arg0, %c0_i32, %c0_i32_0 : i32, i32, i32
  }
  func.func @transform_1(%arg0: i32) -> (i32, i32, i32) {
    %c0_i32 = arith.constant 0 : i32
    %c0_i32_0 = arith.constant 0 : i32
    %c0_i32_1 = arith.constant 0 : i32
    return %arg0, %c0_i32, %c0_i32_0 : i32, i32, i32
  }
  func.func @transform_2(%arg0: i32) -> (i32, i32, i32) {
    %c0_i32 = arith.constant 0 : i32
    %c0_i32_0 = arith.constant 0 : i32
    %c0_i32_1 = arith.constant 0 : i32
    return %arg0, %c0_i32, %c0_i32_0 : i32, i32, i32
  }
  func.func @transform_3(%arg0: i32) -> (i32, i32) {
    %c0_i32 = arith.constant 0 : i32
    %c0_i32_0 = arith.constant 0 : i32
    %c0_i32_1 = arith.constant 0 : i32
    return %c0_i32, %c0_i32_0 : i32, i32
  }
  func.func @transform_4(%arg0: i32) -> (i32, i32, i32) {
    %c0_i32 = arith.constant 0 : i32
    %c0_i32_0 = arith.constant 0 : i32
    %c0_i32_1 = arith.constant 0 : i32
    return %arg0, %c0_i32, %c0_i32_0 : i32, i32, i32
  }
  func.func @transform_5(%arg0: i32) -> (i32, i32, i32) {
    %c0_i32 = arith.constant 0 : i32
    %c0_i32_0 = arith.constant 0 : i32
    %c0_i32_1 = arith.constant 0 : i32
    return %arg0, %c0_i32, %c0_i32_0 : i32, i32, i32
  }
  func.func @transform_6(%arg0: i32) -> (i32, i32, i32) {
    %c0_i32 = arith.constant 0 : i32
    %c0_i32_0 = arith.constant 0 : i32
    %c0_i32_1 = arith.constant 0 : i32
    return %arg0, %c0_i32, %c0_i32_0 : i32, i32, i32
  }
}

</mosaic_0001>

<sc_bundles>
// kernel: kernel.4.cloned.1.call-start
scs
__scs_entry_jumppad:
0x0: {  	(pc) =	sbr.rel $0x88, $3  }
0x1: {  	(tag) =	ssettag $0x0;
	lr =	simm.s32 $0x1  }
0x2: {  	[smem:$0x3F9C] =	sst lr;
	_ =	strace $0xD0000000  }
0x3: {  	_ = 	snop  }
0x4: {  	_ = 	snop  }
0x5: {  	_ = 	snop  }
0x6: {  	_ = 	snop  }
0x7: {  	_ = 	snop  }
__scs_overlays_trampoline_lowered:
0x8: {  	[smem:$0x3FAB] =	sst s0  }
0x9: {  	[smem:$0x3FAC] =	sst s1  }
0xa: {  	[smem:$0x3FAD] =	sst s2  }
0xb: {  	[smem:$0x3FAE] =	sst s3  }
0xc: {  	[smem:$0x3FAF] =	sst s4  }
0xd: {  	[smem:$0x3FB0] =	sst s5  }
0xe: {  	[smem:$0x3FB1] =	sst s6  }
0xf: {  	[smem:$0x3FB2] =	sst s7  }
0x10: {  	[smem:$0x3FB3] =	sst s8  }
0x11: {  	[smem:$0x3FB4] =	sst s9;
	s0 =	simm.s32 @!p0 $0x0  }
0x12: {  	s1 =	sld [smem:$0x3F9A];
	s0 =	simm.s32 @p0 $0x1  }
0x13: {  	[smem:$0x3FB5] =	sst s0;
	s0 =	simm.s32 @!p1 $0x0  }
0x14: {  	s2 =	sld [smem:$0x3F99];
	s0 =	simm.s32 @p1 $0x1  }
0x15: {  	[smem:$0x3FB6] =	sst s0;
	s0 =	simm.s32 @!p2 $0x0  }
0x16: {  	s3 =	sld [smem:$0x3FDB];
	s0 =	simm.s32 @p2 $0x1  }
0x17: {  	s4 =	simm.s32 $0x1BF5;
	[smem:$0x3FB8] =	sst s0  }
0x18: {  	s0 =	sld [smem:$0x3F9B];
	_ =	swait.ge [sflag:s4], $0x0  }
0x19: {  	s7 =	sld [smem:$0x3F9C]  }
0x1a: {  	s8 =	sadd.s32 $0xFFFFE003, lr  }
0x1b: {  	s9 =	sadd.s32 $0xFFFFFEF7, lr;
	s5 =	simm.s32 $0xFFFFFFFF;
	p2 =	slt.u32 s8, $0xFFFFF086  }
0x1c: {  	p1 =	slt.u32 s9, $0xF7A;
	s5 =	simm.s32 @!p2 $0x0  }
0x1d: {  	s5 =	simm.s32 @p1 $0x1;
	p0 =	seq.s32 s7, s2  }
0x1e: {  	s7 =	smul.u32 @!p0 $0xF7A, s2;
	p2 =	seq.s32 @!p0 s5, $0x0  }
0x1f: {  	s9 =	smul.u32 $0xF7A, s1;
	s8 =	simm.s32 @!p0 $0x1BF5;
	p2 =	por !p2, p0  }
0x20: {  	[sflag:s8] =	ssyncset.s32 @!p0 $0xFFFFF086;
	s6 =	sadd.s32 @!p0 s3, s7;
	s7 =	simm.s32 @!p0 $0x108  }
0x21: {  	s3 =	sadd.s32 s3, s9;
	s6 =	sadd.s32 @!p0 $0x88, s6;
	s7 =	simm.s32 @p2 $0x1082  }
0x22: {  	[simem:s7], [sflag:s8] =	dma.local @!p0 [hbm:s6], $0xF7A  }
0x23: {  	s9 =	sor.u32 $0xD0000000, s2;
	s6 =	simm.s32 $0x108;
	_ =	swait.ge @!p0 [sflag:s8], $0x0  }
0x24: {  	s3 =	sadd.s32 $0x88, s3;
	s6 =	simm.s32 @!p1 $0x1082;
	[sflag:s4] =	ssyncset.s32 $0xFFFFF086  }
0x25: {  	[simem:s6], [sflag:s4] =	dma.local [hbm:s3], $0xF7A  }
0x26: {  	[smem:$0x3F9C] =	sst s1;
	(tag) =	ssettag s2;
	_ =	strace s9  }
0x27: {  	s1 =	sld [smem:$0x3FAC]  }
0x28: {  	s2 =	sld [smem:$0x3FAD]  }
0x29: {  	s4 =	sld [smem:$0x3FAF]  }
0x2a: {  	p0 =	seq.s32 s5, $0x0;
	s5 =	sld [smem:$0x3FB0]  }
0x2b: {  	s6 =	sld [smem:$0x3FB1]  }
0x2c: {  	s7 =	sld [smem:$0x3FB2]  }
0x2d: {  	s3 =	simm.s32 $0x108;
	s8 =	sld [smem:$0x3FB3]  }
0x2e: {  	s3 =	simm.s32 @!p0 $0x1082;
	s9 =	sld [smem:$0x3FB4]  }
0x2f: {  	lr =	sadd.s32 s0, s3;
	s0 =	sld [smem:$0x3FAB]  }
0x30: {  	s3 =	sld [smem:$0x3FAE]  }
0x31: {  	[smem:$0x3FB7] =	sst s10  }
0x32: {  	s10 =	sld [smem:$0x3FB5];
	_ =	sdelay $0x3  }
0x33: {  	p0 =	seq.s32 s10, $0x1;
	s10 =	sld [smem:$0x3FB7];
	_ =	sdelay $0x3  }
0x34: {  	[smem:$0x3FB7] =	sst s10  }
0x35: {  	s10 =	sld [smem:$0x3FB6];
	_ =	sdelay $0x3  }
0x36: {  	p1 =	seq.s32 s10, $0x1;
	s10 =	sld [smem:$0x3FB7];
	_ =	sdelay $0x3  }
0x37: {  	[smem:$0x3FB7] =	sst s10  }
0x38: {  	s10 =	sld [smem:$0x3FB8]  }
0x39: {  	_ = 	snop;
	(pc) =	sbr.ind lr, $3  }
0x3a: {  	_ = 	snop  }
0x3b: {  	_ = 	snop  }
0x3c: {  	p2 =	seq.s32 s10, $0x1;
	s10 =	sld [smem:$0x3FB7]  }
0x3d: {  	_ =	shalt  }
0x3e: {  	_ =	shalt  }
0x3f: {  	_ =	shalt  }
0x40: {  	_ =	shalt  }
0x41: {  	_ =	shalt  }
0x42: {  	_ =	shalt  }
0x43: {  	_ =	shalt  }
0x44: {  	_ =	shalt  }
0x45: {  	_ =	shalt  }
0x46: {  	_ =	shalt  }
0x47: {  	_ =	shalt  }
0x48: {  	_ =	shalt  }
0x49: {  	_ =	shalt  }
0x4a: {  	_ =	shalt  }
0x4b: {  	_ =	shalt  }
0x4c: {  	_ =	shalt  }
0x4d: {  	_ =	shalt  }
0x4e: {  	_ =	shalt  }
0x4f: {  	_ =	shalt  }
0x50: {  	_ =	shalt  }
0x51: {  	_ =	shalt  }
0x52: {  	_ =	shalt  }
0x53: {  	_ =	shalt  }
0x54: {  	_ =	shalt  }
0x55: {  	_ =	shalt  }
0x56: {  	_ =	shalt  }
0x57: {  	_ =	shalt  }
0x58: {  	_ =	shalt  }
0x59: {  	_ =	shalt  }
0x5a: {  	_ =	shalt  }
0x5b: {  	_ =	shalt  }
0x5c: {  	_ =	shalt  }
0x5d: {  	_ =	shalt  }
0x5e: {  	_ =	shalt  }
0x5f: {  	_ =	shalt  }
0x60: {  	_ =	shalt  }
0x61: {  	_ =	shalt  }
0x62: {  	_ =	shalt  }
0x63: {  	_ =	shalt  }
0x64: {  	_ =	shalt  }
0x65: {  	_ =	shalt  }
0x66: {  	_ =	shalt  }
0x67: {  	_ =	shalt  }
0x68: {  	_ =	shalt  }
0x69: {  	_ =	shalt  }
0x6a: {  	_ =	shalt  }
0x6b: {  	_ =	shalt  }
0x6c: {  	_ =	shalt  }
0x6d: {  	_ =	shalt  }
0x6e: {  	_ =	shalt  }
0x6f: {  	_ =	shalt  }
0x70: {  	_ =	shalt  }
0x71: {  	_ =	shalt  }
0x72: {  	_ =	shalt  }
0x73: {  	_ =	shalt  }
0x74: {  	_ =	shalt  }
0x75: {  	_ =	shalt  }
0x76: {  	_ =	shalt  }
0x77: {  	_ =	shalt  }
0x78: {  	_ =	shalt  }
0x79: {  	_ =	shalt  }
0x7a: {  	_ =	shalt  }
0x7b: {  	_ =	shalt  }
0x7c: {  	_ =	shalt  }
0x7d: {  	_ =	shalt  }
0x7e: {  	_ =	shalt  }
0x7f: {  	_ =	shalt  }
0x80: {  	_ =	shalt  }
0x81: {  	_ =	shalt  }
0x82: {  	_ =	shalt  }
0x83: {  	_ =	shalt  }
0x84: {  	_ =	shalt  }
0x85: {  	_ =	shalt  }
0x86: {  	_ =	shalt  }
0x87: {  	_ =	shalt  }
.Lfunc_end0:
.L_simem_size_0:
called_computation_lowered:
.L_overlay_start_0:
0x88: {  	s2 =	sld [smem:$0x3FD9]  }
0x89: {  	s3 =	sld [smem:$0x3FFE];
	_ =	sdelay $0x1  }
0x8a: {  	s1 =	srdreg.scid  }
0x8b: {  	s0 =	sand.u32 $0x1, s1  }
0x8c: {  	s16 =	sshll.u32 s0, $0xA;
	s2 =	sadd.s32 s3, s2  }
0x8d: {  	s2 =	sadd.s32 s2, s16  }
0x8e: {  	[smem:$0x3FC3] =	sst s2  }
0x8f: {  	_ = 	snop  }
0x90: {  	(tm) =	ssettm $0x1  }
0x91: {  	s17 =	sld [smem:$0x3FFB];
	_ =	sdelay $0x3  }
0x92: {  	_ =	strace s17  }
0x93: {  	s2 =	sld [smem:$0x3FFC];
	_ =	sdelay $0x3  }
0x94: {  	_ =	strace s2  }
0x95: {  	s2 =	sld [smem:$0x3FFD];
	_ =	sdelay $0x3  }
0x96: {  	_ =	strace s2  }
0x97: {  	_ =	strace $0x8FFFFFFF  }
0x98: {  	s18 =	sld [smem:$0x3FDB];
	_ =	sdelay $0x1  }
0x99: {  	s19 =	simm.s32 $_scs_section_size  }
0x9a: {  	s4 =	simm.s32 $_size__tile_overlayer_lowered;
	s5 =	simm.s32 $_tile_overlayer_lowered  }
0x9b: {  	s22 =	simm.s32 $0x1BFF;
	s21 =	sshll.u32 s5, $0x1;
	s2 =	sadd.s32 s19, s18  }
0x9c: {  	s6 =	simm.s32 $0x0;
	s20 =	sshll.u32 s4, $0x1;
	s4 =	sadd.s32 s21, s2  }
0x9d: {  	[timem:s6], [sflag:s22] =	dma.local [hbm:s4], s20  }
0x9e: {  	_ =	swait.ge [sflag:s22], s20  }
0x9f: {  	s3 =	ssub.s32 $0x0, s20;
	[sflag:s22] =	ssyncset.done $0x0  }
0xa0: {  	[sflag:s22] =	ssyncadd.s32 s3;
	_ =	sdelay $0x1  }
0xa1: {  	s23 =	simm.s32 $0x1B8B  }
0xa2: {  	_ =	swait.ge [sflag:s23], $0x1  }
0xa3: {  	[sflag:s23] =	ssyncset.done $0x0  }
0xa4: {  	s25 =	simm.s32 $0x1B8E;
	s24 =	sld [smem:$0x3FFE];
	[sflag:s23] =	ssyncadd.s32 $0xFFFFFFFF  }
0xa5: {  	s26 =	simm.s32 $execute0_lowered;
	[smem:$0x3FD2] =	sst s25  }
0xa6: {  	s4 =	sshll.u32 s26, $0x1;
	_ =	strace $0x80000046;
	[dreg:$0x1] =	wrdreg $0xFFFFFFFF  }
0xa7: {  	s28 =	simm.s32 $_size_execute0_lowered;
	s2 =	sadd.s32 s2, s4;
	[dreg:$0x0] =	wrdreg $0x0  }
0xa8: {  	s4 =	sshll.u32 s28, $0x1;
	[dreg:$0x2] =	wrdreg s2  }
0xa9: {  	[dreg:$0x3] =	wrdreg s4  }
0xaa: {  	[dreg:$0x4] =	wrdreg $0xC0  }
0xab: {  	_ =	task [dreg:s6], $0x5FFFF  }
0xac: {  	[dreg:$0x1] =	wrdreg $0xFFFFFFFF  }
0xad: {  	[dreg:$0x0] =	wrdreg $0x60  }
0xae: {  	[dreg:$0x2] =	wrdreg s24  }
0xaf: {  	[dreg:$0x3] =	wrdreg $0x9  }
0xb0: {  	_ =	task.clear_ibuf [dreg:s6], $0x4FFFF;
	_ =	strace $0x90000046  }
0xb1: {  	s29 =	simm.s32 $0x9;
	_ =	strace $0x80000048  }
0xb2: {  	_ =	swait.ge [sflag:s29], $0x1  }
0xb3: {  	[sflag:s29] =	ssyncadd.s32 $0xFFFFFFFF  }
0xb4: {  	_ =	strace $0x90000048  }
0xb5: {  	_ =	sfence  }
0xb6: {  	s30 =	sld [smem:$0x0];
	_ =	sdelay $0x2  }
0xb7: {  	s31 =	sshll.u32 s1, $0xD;
	s1 =	sshrl.u32 s1, $0x2  }
0xb8: {  	s3 =	sand.u32 $0x4000, s31;
	s1 =	sadd.s32 s1, s30  }
0xb9: {  	s0 =	sor.u32 s3, s0;
	s1 =	sshll.u32 s1, $0x11  }
0xba: {  	s0 =	sor.u32 s1, s0  }
0xbb: {  	s0 =	sadd.s32 $0x8F2B, s0  }
0xbc: {  	[sflag:s0] =	ssyncadd.remote.s32 $0x1  }
0xbd: {  	_ =	sfence.sel $0xFFFF  }
0xbe: {  	[dreg:$0x0] =	wrdreg $0xFFFFFFFF;
	(pc) =	sbr.abs _section_cstart, $3  }
0xbf: {  	[dreg:$0x1] =	wrdreg $0xFFFFFFFF  }
0xc0: {  	_ =	task.clear_ibuf [dreg:s6], $0x2FFFF;
	_ =	strace $0x9FFFFFFF  }
0xc1: {  	(tm) =	ssettm $0x7FFFFFFF  }
tec
execute0_lowered:
.L_overlay_start_1:
0x0: {  	(tag) =	ssettag $0x1  }
0x1: {  	s4 =	rddreg [dreg:$0x0]  }
0x2: {  	s2 =	simm.s32 $0x0;
	s3 =	srdreg.scid;
	s0 =	stileid.u32  }
0x3: {  	s9 =	simm.s32 $0x1;
	s10 =	simm.s32 $0x8400;
	s11 =	simm.s32 $0x8480  }
0x4: {  	s12 =	simm.s32 $0x8C80;
	s13 =	simm.s32 $0x0;
	s3 =	sand.u32 $0x1, s3  }
0x5: {  	s5 =	sshrl.u32 s0, $0x2;
	s6 =	sshll.u32 s0, $0x8;
	[smem:$0x7FF] =	sst s2  }
0x6: {  	s7 =	smul.u32 $0x21000, s5;
	s8 =	sshll.u32 s3, $0x7;
	s6 =	sand.u32 $0x300, s6  }
0x7: {  	_ =	strace $0x80000047;
	s5 =	sshll.u32 s5, $0xA;
	s6 =	sor.u32 s8, s6  }
.Ltmp0:
0x8: {  	s3 =	ssub.s32 $0x2, s3;
	s7 =	sor.u32 s7, s6;
	(pc) =	sbr.rel .LBB2_1-.Ltmp0, $4  }
0x9: {  	v0 =	vlaneseq.u32;
	s31 =	sshrl.u32 s3, $0x1;
	s5 =	sor.u32 s5, s6;
	s7 =	sshrl.u32 s7, $0x3  }
0xa: {  	v3 =	vmul.u32 $0xFFFFFFFF, v0;
	s8 =	simm.s32 $0x400;
	s5 =	sshrl.u32 s5, $0x3;
	s30 =	sadd.s32 s7, s4  }
0xb: {  	s7 =	ssub.s32 s3, s31;
	s4 =	sadd.s32 s4, s5;
	s3 =	sadd.s32 $0x200, s30  }
0xc: {  	v1 =	vimm.s32 $0x0;
	v2 =	vimm.s32 $0x1;
	v3 =	vadd.s32 $0xF, v3;
	s5 =	sadd.s32 $0x10A00, s4;
	s6 =	smax.u32 s7, $0x1;
	s7 =	simm.s32 $0x80  }
.LBB2_22:
0xd: {  	v13 =	vsel vm3, $0x1, v1  }
0xe: {  	(xrf0) =	vadd.scan.msk.s32 $0xffff, v13;
	_ =	sdelay $0x3  }
0xf: {  	v51, _, _ =	vpop (xrf0)  }
0x10: {  	(v2sf) =	vpush v51, $0xF;
	v14, _, _ =	vpop (xrf0)  }
0x11: {  	(v2sf) =	vpush v14, $0xF;
	v52, _, _ =	vpop (xrf0)  }
0x12: {  	(v2sf) =	vpush v52, $0xF;
	_ =	sdelay $0x2  }
0x13: {  	s0 =	sadd.s32 s19, s21  }
0x14: {  	v15 =	vld [tilespmem:s18+$0x4200];
	v16 =	vsel vm3, $0xFFFFFFFF, v1;
	v7 =	vadd.s32 s0, v7  }
0x15: {  	s30 =	spop (v2sf);
	v53 =	vsel vm5, $0x1, v1;
	vm0 =	vmmov vm0;
	v54 =	vld [tilespmem:s16+$0x0];
	v7 =	vadd.s32 v11, v7  }
0x16: {  	vm1 =	vmmov vm1;
	vm4 =	vgt.s32 v12, $0xFFFFFFFF;
	s1 =	spop (v2sf);
	vm8 =	vlt.s32 v7, v6;
	v7 =	vld [tilespmem:s15+$0x0]  }
0x17: {  	vm9 =	vmmov vm3;
	vm0 =	vmmov vm0;
	vm1 =	vmmov vm1;
	s0 =	sadd.s32 s0, s1  }
0x18: {  	vm11 =	vmmov vm9;
	s31 =	spop (v2sf);
	vm1 =	vmmov vm1;
	v8 =	vadd.s32 s0, v8  }
0x19: {  	vm4 =	vmand vm4, vm8;
	v8 =	vadd.s32 v10, v8;
	vm10 =	veq.s32 v15, v4;
	s16 =	spop (v2sf)  }
0x1a: {  	v58 =	vld [tilespmem:s18+$0x0];
	(xrf0) =	vadd.scan.msk.s32 $0xffff, v53;
	vm2 =	vmand vm2, vm4;
	vm13 =	vlt.s32 v8, v6;
	v55 =	vsel vm10, $0x1, v1;
	s0 =	sadd.s32 s0, s16  }
0x1b: {  	vm14 =	vgt.s32 v54, $0xFFFFFFFF;
	(xrf0) =	vadd.scan.msk.s32 $0xffff, v55;
	vm12 =	vgt.s32 v7, $0xFFFFFFFF;
	v7 =	vadd.s32 s0, v9  }
0x1c: {  	v15 =	vsel vm10, $0xFFFFFFFF, v1;
	v56 =	vsel vm2, $0x1, v1;
	s20 =	spop (v2sf);
	v7 =	vadd.s32 v51, v7  }
0x1d: {  	vm5 =	vmmov vm10;
	vm2 =	vmmov vm11;
	vm15 =	vlt.s32 v7, v6;
	v7 =	vld [tilespmem:s17+$0x0];
	s21 =	spop (v2sf)  }
0x1e: {  	vm8 =	vmmov vm5;
	vm9 =	vmmov vm2;
	vm3 =	vmand vm12, vm13;
	s22 =	spop (v2sf)  }
0x1f: {  	vm10 =	vmmov vm8;
	vm13 =	vgt.s32 v58, $0xFFFFFFFF;
	vm0 =	vmand vm0, vm3;
	s0 =	sadd.s32 s0, s21;
	s23 =	spop (v2sf)  }
0x20: {  	v59, _, _ =	vpop (xrf0);
	v57 =	vsel vm0, $0x1, v1;
	vm7 =	vmand vm14, vm15;
	v61 =	vadd.s32 s0, v16;
	s0 =	sadd.s32 s0, s23  }
0x21: {  	vm0 =	vmand vm1, vm7;
	v62, _, _ =	vpop (xrf0);
	v13 =	vadd.s32 v52, v61;
	v63 =	vadd.s32 s0, v15  }
0x22: {  	vm11 =	vgt.s32 v7, $0xFFFFFFFF;
	vm12 =	vlt.s32 v13, v6;
	v7 =	vadd.s32 v62, v63  }
0x23: {  	(xrf0) =	vadd.scan.msk.s32 $0xffff, v56;
	v60 =	vsel vm0, $0x1, v1;
	vm2 =	vmand vm11, vm12;
	vm14 =	vlt.s32 v7, v6  }
0x24: {  	(xrf0) =	vadd.scan.msk.s32 $0xffff, v57;
	vm0 =	vmmov vm10;
	vm1 =	vmand vm9, vm2;
	vm15 =	vmand vm13, vm14  }
0x25: {  	(xrf0) =	vadd.scan.msk.s32 $0xffff, v60;
	v6 =	vsel vm1, $0x1, v1;
	vm0 =	vmand vm0, vm15  }
0x26: {  	(xrf0) =	vadd.scan.msk.s32 $0xffff, v6;
	v6 =	vsel vm0, $0x1, v1  }
0x27: {  	(xrf0) =	vadd.scan.msk.s32 $0xffff, v6  }
0x28: {  	(v2sf) =	vpush v59, $0xF  }
0x29: {  	(v2sf) =	vpush v62, $0xF;
	v6, _, _ =	vpop (xrf0)  }
0x2a: {  	v7, _, _ =	vpop (xrf0);
	(v2sf) =	vpush v6, $0xF  }
0x2b: {  	(v2sf) =	vpush v7, $0xF;
	v6, _, _ =	vpop (xrf0)  }
0x2c: {  	(v2sf) =	vpush v6, $0xF;
	v6, _, _ =	vpop (xrf0)  }
0x2d: {  	(v2sf) =	vpush v6, $0xF;
	v6, _, _ =	vpop (xrf0)  }
0x2e: {  	(v2sf) =	vpush v6, $0xF;
	_ =	sdelay $0x6  }
0x2f: {  	s24 =	sadd.s32 s14, s30  }
0x30: {  	s0 =	sadd.s32 s24, s31  }
0x31: {  	s25 =	spop (v2sf);
	s0 =	sadd.s32 s0, s20  }
0x32: {  	s0 =	sadd.s32 s0, s22;
	s26 =	spop (v2sf)  }
0x33: {  	s0 =	sadd.s32 s0, s25;
	s1 =	spop (v2sf)  }
0x34: {  	s0 =	sadd.s32 s0, s1;
	s28 =	spop (v2sf)  }
0x35: {  	s0 =	sadd.s32 s0, s28;
	s29 =	spop (v2sf)  }
0x36: {  	s0 =	sadd.s32 s0, s29;
	s30 =	spop (v2sf)  }
0x37: {  	s0 =	sadd.s32 s0, s30;
	s31 =	spop (v2sf)  }
0x38: {  	s15 =	sadd.s32 s0, s31  }
.LBB2_23:
0x39: {  	s0 =	scvt.s32.f32 s15  }
0x3a: {  	(xrf2) =	vadd.scan.msk.f32 $0xffff, v5  }
0x3b: {  	v4 =	vmul.f32 s0, v4;
	_ =	sdelay $0x1  }
0x3c: {  	v4 =	vbroadcast v4, $0x0;
	_ =	sdelay $0x1  }
0x3d: {  	(xrf0) =	vmax.scan.msk.f32 $0xffff, v4;
	_ =	sdelay $0x4  }
0x3e: {  	v4, _, _ =	vpop (xrf2)  }
0x3f: {  	(v2sf) =	vpush v4, $0xF;
	v4, _, _ =	vpop (xrf0)  }
0x40: {  	(v2sf) =	vpush v4, $0xF;
	_ =	sdelay $0xd  }
0x41: {  	s31 =	spop (v2sf)  }
0x42: {  	s1 =	spop (v2sf)  }
0x43: {  	s0 =	sadd.f32 s1, s31  }
0x44: {  	s13 =	sadd.s32 $0x1, s13  }
0x45: {  	p0 =	sne.s32 s13, s6;
	v4 =	vmov s0  }
.Ltmp1:
0x46: {  	[tilespmem:$0x8C80] =	vst v4;
	(pc) =	sbr.rel @!p0 .LBB2_24-.Ltmp1, $4  }
0x47: {  	[hbm4b:s5+s2] =	stream.linear.scatter [tilespmem:s12], [sflag:$0x1], $0x80, $0x38;
	[tilespmem:$0x8D00] =	vst v63  }
0x48: {  	_ =	swait.ge [sflag:s9], $0x80  }
0x49: {  	[sflag:s9] =	ssyncset.done $0x0  }
0x4a: {  	[sflag:s9] =	ssyncadd.s32 $0xFFFFFF80  }
.LBB2_1:
0x4b: {  	[tilespmem:s2], [sflag:$0x1] =	stream.strided.gather [hbm4b:s3+s7], $0x4200, s8, s7, $0x38;
	[tilespmem:$0x8D00] =	vst v63  }
0x4c: {  	_ =	swait.ge [sflag:s9], $0x4200  }
0x4d: {  	[sflag:s9] =	ssyncset.done $0x0  }
0x4e: {  	[sflag:s9] =	ssyncadd.s32 $0xFFFFBE00  }
0x4f: {  	[tilespmem:s10], [sflag:$0x1] =	stream.linear.gather [hbm4b:s4+s2], $0x80, $0x38;
	[tilespmem:$0x8D00] =	vst v63  }
0x50: {  	_ =	swait.ge [sflag:s9], $0x80  }
0x51: {  	[sflag:s9] =	ssyncset.done $0x0  }
0x52: {  	[sflag:s9] =	ssyncadd.s32 $0xFFFFFF80  }
0x53: {  	s14 =	simm.s32 $0x0;
	v4 =	vld [tilespmem:$0x8400]  }
.LBB2_2:
0x54: {  	p0 =	sne.s32 s14, $0x1FC0  }
.Ltmp2:
0x55: {  	_ = 	snop;
	(pc) =	sbr.rel @p0 .LBB2_2-.Ltmp2, $3  }
0x56: {  	_ =	sdelay $0x1  }
0x57: {  	s15 =	sshra.s32 s14, $0x2  }
0x58: {  	s14 =	sadd.s32 $0x40, s14;
	[tilespmem:s15+$0x8480] =	vst v1  }
0x59: {  	s14 =	simm.s32 $0x0  }
.LBB2_4:
0x5a: {  	s15 =	sshra.s32 s14, $0x2  }
0x5b: {  	v5 =	vld [tilespmem:s15+$0x0];
	_ =	sdelay $0x4  }
0x5c: {  	v6 =	vshrl.u32 v5, $0x14  }
0x5d: {  	v6 =	vand.u32 $0x7FF, v6;
	_ =	sdelay $0x2  }
0x5e: {  	v5 =	vand.u32 $0x7FFFFFFF, v5  }
0x5f: {  	[tilespmem:s15+$0x4200] =	vst v5  }
0x60: {  	[tilespmem:v6+s11+$0x0] =	vst.idx.add.s32.msk $0xffff, v2  }
0x61: {  	v5 =	vld [tilespmem:s15+$0x10];
	_ =	sdelay $0x4  }
0x62: {  	v6 =	vshrl.u32 v5, $0x14  }
0x63: {  	p0 =	sne.s32 s14, $0x10600;
	v6 =	vand.u32 $0x7FF, v6  }
.Ltmp3:
0x64: {  	_ = 	snop;
	(pc) =	sbr.rel @p0 .LBB2_4-.Ltmp3, $4  }
0x65: {  	_ = 	snop  }
0x66: {  	v5 =	vand.u32 $0x7FFFFFFF, v5  }
0x67: {  	[tilespmem:s15+$0x4210] =	vst v5  }
0x68: {  	s14 =	sadd.s32 $0x80, s14;
	[tilespmem:v6+s11+$0x0] =	vst.idx.add.s32.msk $0xffff, v2  }
0x69: {  	s14 =	simm.s32 $0x8C70  }
0x6a: {  	v5 =	vld [tilespmem:s14+$0x0];
	_ =	sdelay $0x4  }
0x6b: {  	(xrf0) =	vadd.scan.msk.s32 $0xffff, v5;
	_ =	sdelay $0x4  }
0x6c: {  	(v2sf) =	vpush v4, $0x2  }
0x6d: {  	v4, _, _ =	vpop (xrf0)  }
0x6e: {  	s25 =	simm.s32 $0x8C60;
	(v2sf) =	vpush v4, $0xF  }
0x6f: {  	v4 =	vld [tilespmem:s25+$0x0]  }
0x70: {  	s26 =	simm.s32 $0x8C50  }
0x71: {  	v5 =	vld [tilespmem:s26+$0x0];
	_ =	sdelay $0x2  }
0x72: {  	(xrf0) =	vadd.scan.msk.s32 $0xffff, v4;
	_ =	sdelay $0x1  }
0x73: {  	(xrf0) =	vadd.scan.msk.s32 $0xffff, v5;
	_ =	sdelay $0x2  }
0x74: {  	s28 =	simm.s32 $0x8C40  }
0x75: {  	v6 =	vld [tilespmem:s28+$0x0];
	v5, _, _ =	vpop (xrf0)  }
0x76: {  	s15 =	spop (v2sf);
	(v2sf) =	vpush v5, $0xF  }
0x77: {  	v5, _, _ =	vpop (xrf0)  }
0x78: {  	s31 =	spop (v2sf);
	(v2sf) =	vpush v5, $0xF;
	_ =	sdelay $0x1  }
0x79: {  	s30 =	simm.s32 $0x8C30;
	s29 =	scvt.f32.s32 s15;
	(xrf0) =	vadd.scan.msk.s32 $0xffff, v6  }
0x7a: {  	s16 =	simm.s32 $0x0;
	s24 =	simm.s32 $0x7F;
	v4 =	vld [tilespmem:s30+$0x0]  }
0x7b: {  	s22 =	simm.s32 $0x7E;
	s19 =	simm.s32 $0x7D;
	s14 =	smul.u32 $0x7, s29  }
0x7c: {  	s20 =	simm.s32 $0x7C;
	s18 =	simm.s32 $0x7B;
	p2 =	por $0x1, $0x1  }
0x7d: {  	s21 =	simm.s32 $0x0;
	s23 =	simm.s32 $0x0;
	p0 =	slt.s32 s14, $0x419F  }
0x7e: {  	s26 =	simm.s32 $0x8C20;
	s14 =	simm.s32 @!p0 $0x419F;
	s17 =	sadd.s32 $0x0, s31  }
0x7f: {  	s25 =	simm.s32 $0x7A;
	s15 =	simm.s32 $0x0;
	(xrf0) =	vadd.scan.msk.s32 $0xffff, v4;
	v4, _, _ =	vpop (xrf0);
	p0 =	sge.s32 s17, s14  }
.LBB2_6:
0x80: {  	p1 =	sne.s32 s25, $0x0;
	p2 =	por !p2, !p0;
	s28 =	smov.u32 s18  }
0x81: {  	v5 =	vld [tilespmem:s26+$0x0];
	(v2sf) =	vpush v4, $0xF;
	s18 =	smov.u32 s25;
	s25 =	sadd.s32 $0xFFFFFFFF, s25;
	s29 =	smov.u32 s21  }
.Ltmp4:
0x82: {  	s21 =	smov.u32 s17;
	p2 =	por !p2, !p2;
	(pc) =	sbr.rel @p1 .LBB2_6-.Ltmp4, $4  }
0x83: {  	s16 =	smov.u32 @p2 s24;
	s15 =	smov.u32 @p2 s29;
	s24 =	smov.u32 s22  }
0x84: {  	s22 =	smov.u32 s19;
	s19 =	smov.u32 s20;
	s29 =	spop (v2sf)  }
0x85: {  	s23 =	simm.s32 @p0 $0x1;
	s20 =	smov.u32 s28;
	s17 =	sadd.s32 s17, s29  }
0x86: {  	s26 =	sadd.s32 $0xFFFFFFF0, s26;
	p2 =	seq.s32 s23, $0x0;
	(xrf0) =	vadd.scan.msk.s32 $0xffff, v5;
	v4, _, _ =	vpop (xrf0);
	p0 =	sge.s32 s17, s14  }
0x87: {  	_ =	sdelay $0x3  }
0x88: {  	(v2sf) =	vpush v4, $0xF  }
0x89: {  	v4, _, _ =	vpop (xrf0)  }
0x8a: {  	(v2sf) =	vpush v4, $0xF;
	_ =	sdelay $0x6  }
0x8b: {  	p1 =	por !p2, !p0  }
0x8c: {  	s25 =	spop (v2sf);
	p1 =	por !p1, !p1  }
0x8d: {  	s23 =	simm.s32 @p0 $0x1;
	s16 =	smov.u32 @p1 s24;
	s24 =	sadd.s32 s17, s25  }
0x8e: {  	p0 =	seq.s32 s23, $0x0;
	p2 =	sge.s32 s24, s14  }
0x8f: {  	p0 =	por !p0, !p2;
	s23 =	simm.s32 @p2 $0x1;
	s30 =	spop (v2sf)  }
0x90: {  	p2 =	seq.s32 s23, $0x0;
	p0 =	por !p0, !p0;
	s25 =	sadd.s32 s24, s30  }
0x91: {  	s16 =	smov.u32 @p0 s22;
	p3 =	sge.s32 s25, s14;
	s26 =	spop (v2sf)  }
0x92: {  	s23 =	simm.s32 @p3 $0x1;
	p2 =	por !p2, !p3;
	s26 =	sadd.s32 s25, s26  }
0x93: {  	p4 =	seq.s32 s23, $0x0;
	p5 =	sge.s32 s26, s14;
	s31 =	spop (v2sf)  }
0x94: {  	p2 =	por !p2, !p2;
	s23 =	simm.s32 @p5 $0x1;
	s22 =	sadd.s32 s26, s31  }
0x95: {  	p4 =	por !p4, !p5;
	p6 =	seq.s32 s23, $0x0;
	p3 =	sge.s32 s22, s14  }
0x96: {  	s16 =	smov.u32 @p2 s19;
	p4 =	por !p4, !p4;
	p3 =	por !p6, !p3  }
0x97: {  	s16 =	smov.u32 @p4 s20;
	p3 =	por !p3, !p3  }
0x98: {  	s16 =	smov.u32 @p3 s18  }
0x99: {  	s16 =	sshll.u32 s16, $0x4  }
0x9a: {  	v4 =	vld [tilespmem:s16+$0x8480];
	_ =	sdelay $0x4  }
0x9b: {  	v4 =	vperm.xlane v4, v3;
	_ =	sdelay $0x1  }
0x9c: {  	(xrf0) =	vadd.scan.msk.s32 $0xffff, v4;
	_ =	sdelay $0x1  }
0x9d: {  	s15 =	smov.u32 @p1 s21  }
0x9e: {  	s15 =	smov.u32 @p0 s17  }
0x9f: {  	s15 =	smov.u32 @p2 s24  }
0xa0: {  	s15 =	smov.u32 @p4 s25  }
0xa1: {  	s15 =	smov.u32 @p3 s26;
	v5, _, _ =	vpop (xrf0)  }
0xa2: {  	v6 =	vadd.s32 s15, v5  }
0xa3: {  	vm0 =	vge.s32 v6, s14  }
0xa4: {  	s17 =	simm.s32 $0x40;
	s18 =	simm.s32 $0x0;
	v6 =	vmctz.xlane vm0  }
.LBB2_8:
0xa5: {  	p0 =	seq.s32 s17, $0x1FC0;
	[tilespmem:s18+$0x8480] =	vst v1;
	s18 =	smov.u32 s17;
	s17 =	sadd.s32 $0x40, s17  }
.Ltmp5:
0xa6: {  	(pc) =	sbr.rel @!p0 .LBB2_8-.Ltmp5, $2  }
0xa7: {  	_ =	sdelay $0x2  }
0xa8: {  	s18 =	sshra.s32 s18, $0x2  }
0xa9: {  	v6 =	vxor.u32 $0x80000000, v6  }
0xaa: {  	(xrf0) =	vmax.scan.msk.u32 $0xffff, v6;
	_ =	sdelay $0x5  }
0xab: {  	v6, _, _ =	vpop (xrf0)  }
0xac: {  	(v2sf) =	vpush v6, $0xF;
	_ =	sdelay $0xe  }
0xad: {  	s17 =	spop (v2sf)  }
0xae: {  	s16 =	sor.u32 $0xF, s16;
	s17 =	sxor.u32 $0x80000000, s17  }
0xaf: {  	s16 =	ssub.s32 s16, s17  }
0xb0: {  	[tilespmem:s18+$0x8480] =	vst v1;
	s18 =	simm.s32 $0x0;
	v6 =	vmov s16  }
.LBB2_10:
0xb1: {  	s19 =	sshra.s32 s18, $0x2  }
0xb2: {  	v7 =	vld [tilespmem:s19+$0x4200];
	_ =	sdelay $0x4  }
0xb3: {  	v8 =	vshrl.u32 v7, $0x14  }
0xb4: {  	v7 =	vshrl.u32 v7, $0x9;
	vm0 =	veq.s32 v8, v6  }
0xb5: {  	v7 =	vand.u32 $0x7FF, v7;
	_ =	sdelay $0x4  }
0xb6: {  	[tilespmem:v7+s11+$0x0] =	vst.idx.add.s32.msk vm0, v2  }
0xb7: {  	v7 =	vld [tilespmem:s19+$0x4210];
	_ =	sdelay $0x4  }
0xb8: {  	v8 =	vshrl.u32 v7, $0x14  }
0xb9: {  	v7 =	vshrl.u32 v7, $0x9;
	vm15 =	veq.s32 v8, v6  }
0xba: {  	p0 =	sne.s32 s18, $0x10600;
	v7 =	vand.u32 $0x7FF, v7  }
.Ltmp6:
0xbb: {  	_ = 	snop;
	(pc) =	sbr.rel @p0 .LBB2_10-.Ltmp6, $2  }
0xbc: {  	_ =	sdelay $0x2  }
0xbd: {  	s18 =	sadd.s32 $0x80, s18;
	[tilespmem:v7+s11+$0x0] =	vst.idx.add.s32.msk vm15, v2  }
0xbe: {  	v6 =	vmov s17  }
0xbf: {  	vm0 =	veq.s32 v6, v0  }
0xc0: {  	v4 =	vnsel vm0, $0x0, v4  }
0xc1: {  	s21 =	simm.s32 $0x8C70;
	(xrf0) =	vadd.scan.msk.s32 $0xffff, v4;
	v4 =	vnsel vm0, $0x0, v5  }
0xc2: {  	(xrf0) =	vadd.scan.msk.s32 $0xffff, v4;
	v4 =	vld [tilespmem:s21+$0x0];
	_ =	sdelay $0x4  }
0xc3: {  	(xrf0) =	vadd.scan.msk.s32 $0xffff, v4;
	_ =	sdelay $0x2  }
0xc4: {  	v5, _, _ =	vpop (xrf0)  }
0xc5: {  	(v2sf) =	vpush v5, $0xF  }
0xc6: {  	v4, _, _ =	vpop (xrf0)  }
0xc7: {  	s22 =	simm.s32 $0x8C60;
	(v2sf) =	vpush v4, $0xF;
	v4, _, _ =	vpop (xrf0)  }
0xc8: {  	(v2sf) =	vpush v4, $0xF;
	v4 =	vld [tilespmem:s22+$0x0]  }
0xc9: {  	s23 =	simm.s32 $0x8C50  }
0xca: {  	v5 =	vld [tilespmem:s23+$0x0];
	_ =	sdelay $0x2  }
0xcb: {  	(xrf0) =	vadd.scan.msk.s32 $0xffff, v4;
	_ =	sdelay $0x1  }
0xcc: {  	(xrf0) =	vadd.scan.msk.s32 $0xffff, v5;
	_ =	sdelay $0x2  }
0xcd: {  	s24 =	simm.s32 $0x8C40  }
0xce: {  	v6 =	vld [tilespmem:s24+$0x0];
	v5, _, _ =	vpop (xrf0)  }
0xcf: {  	s25 =	spop (v2sf);
	(v2sf) =	vpush v5, $0xF  }
0xd0: {  	v5, _, _ =	vpop (xrf0)  }
0xd1: {  	s18 =	spop (v2sf);
	(v2sf) =	vpush v5, $0xF;
	_ =	sdelay $0x1  }
0xd2: {  	s26 =	simm.s32 $0x8C30;
	(xrf0) =	vadd.scan.msk.s32 $0xffff, v6  }
0xd3: {  	s19 =	simm.s32 $0x0;
	s28 =	simm.s32 $0x7F;
	s29 =	simm.s32 $0x7A;
	v4 =	vld [tilespmem:s26+$0x0]  }
0xd4: {  	s30 =	simm.s32 $0x8C20;
	p2 =	por $0x1, $0x1;
	s24 =	simm.s32 $0x0  }
0xd5: {  	s21 =	simm.s32 $0x7B;
	s23 =	simm.s32 $0x7C;
	s15 =	sadd.s32 s15, s18  }
0xd6: {  	s22 =	simm.s32 $0x7D;
	s15 =	ssub.s32 s15, s25;
	s31 =	spop (v2sf)  }
0xd7: {  	s26 =	simm.s32 $0x0;
	s17 =	ssub.s32 s14, s15;
	s20 =	sadd.s32 $0x0, s31  }
0xd8: {  	(xrf0) =	vadd.scan.msk.s32 $0xffff, v4;
	s18 =	simm.s32 $0x0;
	s25 =	simm.s32 $0x7E;
	v4, _, _ =	vpop (xrf0);
	p0 =	sge.s32 s20, s17  }
.LBB2_12:
0xd9: {  	p1 =	sne.s32 s29, $0x0;
	p2 =	por !p2, !p0;
	s31 =	smov.u32 s21  }
0xda: {  	v5 =	vld [tilespmem:s30+$0x0];
	(v2sf) =	vpush v4, $0xF;
	s21 =	smov.u32 s29;
	s29 =	sadd.s32 $0xFFFFFFFF, s29;
	s0 =	smov.u32 s24  }
.Ltmp7:
0xdb: {  	s24 =	smov.u32 s20;
	p2 =	por !p2, !p2;
	(pc) =	sbr.rel @p1 .LBB2_12-.Ltmp7, $4  }
0xdc: {  	s19 =	smov.u32 @p2 s28;
	s18 =	smov.u32 @p2 s0;
	s28 =	smov.u32 s25  }
0xdd: {  	s25 =	smov.u32 s22;
	s22 =	smov.u32 s23;
	s0 =	spop (v2sf)  }
0xde: {  	s26 =	simm.s32 @p0 $0x1;
	s23 =	smov.u32 s31;
	s20 =	sadd.s32 s20, s0  }
0xdf: {  	s30 =	sadd.s32 $0xFFFFFFF0, s30;
	p2 =	seq.s32 s26, $0x0;
	(xrf0) =	vadd.scan.msk.s32 $0xffff, v5;
	v4, _, _ =	vpop (xrf0);
	p0 =	sge.s32 s20, s17  }
0xe0: {  	_ =	sdelay $0x3  }
0xe1: {  	(v2sf) =	vpush v4, $0xF  }
0xe2: {  	v4, _, _ =	vpop (xrf0)  }
0xe3: {  	(v2sf) =	vpush v4, $0xF;
	_ =	sdelay $0x7  }
0xe4: {  	p1 =	por !p2, !p0;
	s0 =	spop (v2sf)  }
0xe5: {  	s26 =	simm.s32 @p0 $0x1;
	p1 =	por !p1, !p1;
	s0 =	sadd.s32 s20, s0  }
0xe6: {  	p0 =	seq.s32 s26, $0x0;
	s19 =	smov.u32 @p1 s28;
	p2 =	sge.s32 s0, s17  }
0xe7: {  	p0 =	por !p0, !p2;
	s26 =	simm.s32 @p2 $0x1;
	s31 =	spop (v2sf)  }
0xe8: {  	p2 =	seq.s32 s26, $0x0;
	p0 =	por !p0, !p0;
	s28 =	sadd.s32 s0, s31  }
0xe9: {  	s19 =	smov.u32 @p0 s25;
	p3 =	sge.s32 s28, s17;
	s29 =	spop (v2sf)  }
0xea: {  	s26 =	simm.s32 @p3 $0x1;
	p2 =	por !p2, !p3;
	s29 =	sadd.s32 s28, s29  }
0xeb: {  	p4 =	seq.s32 s26, $0x0;
	p5 =	sge.s32 s29, s17;
	s1 =	spop (v2sf)  }
0xec: {  	p2 =	por !p2, !p2;
	s26 =	simm.s32 @p5 $0x1;
	s25 =	sadd.s32 s29, s1  }
0xed: {  	p4 =	por !p4, !p5;
	p6 =	seq.s32 s26, $0x0;
	p3 =	sge.s32 s25, s17  }
0xee: {  	s19 =	smov.u32 @p2 s22;
	p4 =	por !p4, !p4;
	p3 =	por !p6, !p3  }
0xef: {  	s19 =	smov.u32 @p4 s23;
	p3 =	por !p3, !p3  }
0xf0: {  	s19 =	smov.u32 @p3 s21  }
0xf1: {  	s21 =	sshll.u32 s19, $0x4  }
0xf2: {  	v4 =	vld [tilespmem:s21+$0x8480];
	_ =	sdelay $0x4  }
0xf3: {  	v4 =	vperm.xlane v4, v3;
	_ =	sdelay $0x1  }
0xf4: {  	(xrf0) =	vadd.scan.msk.s32 $0xffff, v4;
	_ =	sdelay $0x1  }
0xf5: {  	s18 =	smov.u32 @p1 s24  }
0xf6: {  	s18 =	smov.u32 @p0 s20  }
0xf7: {  	s18 =	smov.u32 @p2 s0  }
0xf8: {  	s18 =	smov.u32 @p4 s28  }
0xf9: {  	s18 =	smov.u32 @p3 s29;
	v5, _, _ =	vpop (xrf0)  }
0xfa: {  	[tilespmem:$0x8480] =	vst v1;
	v6 =	vadd.s32 s18, v5  }
0xfb: {  	[tilespmem:$0x8490] =	vst v1;
	vm0 =	vge.s32 v6, s17  }
0xfc: {  	[tilespmem:$0x84A0] =	vst v1;
	v6 =	vmctz.xlane vm0  }
0xfd: {  	[tilespmem:$0x84B0] =	vst v1  }
0xfe: {  	[tilespmem:$0x84C0] =	vst v1;
	v6 =	vxor.u32 $0x80000000, v6  }
0xff: {  	[tilespmem:$0x84D0] =	vst v1;
	(xrf0) =	vmax.scan.msk.u32 $0xffff, v6  }
0x100: {  	[tilespmem:$0x84E0] =	vst v1  }
0x101: {  	[tilespmem:$0x84F0] =	vst v1  }
0x102: {  	[tilespmem:$0x8500] =	vst v1  }
0x103: {  	[tilespmem:$0x8510] =	vst v1  }
0x104: {  	[tilespmem:$0x8520] =	vst v1  }
0x105: {  	[tilespmem:$0x8530] =	vst v1;
	v6, _, _ =	vpop (xrf0)  }
0x106: {  	[tilespmem:$0x8540] =	vst v1;
	(v2sf) =	vpush v6, $0xF  }
0x107: {  	[tilespmem:$0x8550] =	vst v1  }
0x108: {  	[tilespmem:$0x8560] =	vst v1  }
0x109: {  	[tilespmem:$0x8570] =	vst v1  }
0x10a: {  	[tilespmem:$0x8580] =	vst v1  }
0x10b: {  	[tilespmem:$0x8590] =	vst v1  }
0x10c: {  	[tilespmem:$0x85A0] =	vst v1  }
0x10d: {  	[tilespmem:$0x85B0] =	vst v1  }
0x10e: {  	[tilespmem:$0x85C0] =	vst v1  }
0x10f: {  	[tilespmem:$0x85D0] =	vst v1  }
0x110: {  	[tilespmem:$0x85E0] =	vst v1  }
0x111: {  	[tilespmem:$0x85F0] =	vst v1  }
0x112: {  	[tilespmem:$0x8600] =	vst v1  }
0x113: {  	[tilespmem:$0x8610] =	vst v1  }
0x114: {  	[tilespmem:$0x8620] =	vst v1  }
0x115: {  	[tilespmem:$0x8630] =	vst v1;
	s30 =	spop (v2sf)  }
0x116: {  	s31 =	sshllo.u32 s19, $0x4;
	[tilespmem:$0x8640] =	vst v1;
	s20 =	sxor.u32 $0x80000000, s30  }
0x117: {  	s16 =	sshll.u32 s16, $0xB;
	[tilespmem:$0x8650] =	vst v1;
	s0 =	ssub.s32 s31, s20  }
0x118: {  	[tilespmem:$0x8660] =	vst v1;
	s19 =	sor.u32 s16, s0  }
0x119: {  	[tilespmem:$0x8670] =	vst v1;
	s16 =	simm.s32 $0x0;
	v6 =	vmov s19  }
.LBB2_14:
0x11a: {  	s0 =	sshra.s32 s16, $0x2  }
0x11b: {  	v7 =	vld [tilespmem:s0+$0x4200];
	_ =	sdelay $0x4  }
0x11c: {  	v8 =	vshrl.u32 v7, $0x9  }
0x11d: {  	vm0 =	veq.s32 v8, v6  }
0x11e: {  	v7 =	vand.u32 $0x1FF, v7;
	_ =	sdelay $0x4  }
0x11f: {  	[tilespmem:v7+s11+$0x0] =	vst.idx.add.s32.msk vm0, v2  }
0x120: {  	v7 =	vld [tilespmem:s0+$0x4210];
	_ =	sdelay $0x4  }
0x121: {  	v8 =	vshrl.u32 v7, $0x9  }
0x122: {  	vm15 =	veq.s32 v8, v6  }
0x123: {  	p0 =	sne.s32 s16, $0x10600;
	v7 =	vand.u32 $0x1FF, v7  }
.Ltmp8:
0x124: {  	_ = 	snop;
	(pc) =	sbr.rel @p0 .LBB2_14-.Ltmp8, $2  }
0x125: {  	_ =	sdelay $0x2  }
0x126: {  	s16 =	sadd.s32 $0x80, s16;
	[tilespmem:v7+s11+$0x0] =	vst.idx.add.s32.msk vm15, v2  }
0x127: {  	v6 =	vmov s20  }
0x128: {  	vm0 =	veq.s32 v6, v0  }
0x129: {  	v4 =	vnsel vm0, $0x0, v4  }
0x12a: {  	s0 =	simm.s32 $0x8670;
	(xrf0) =	vadd.scan.msk.s32 $0xffff, v4;
	v4 =	vnsel vm0, $0x0, v5  }
0x12b: {  	(xrf0) =	vadd.scan.msk.s32 $0xffff, v4;
	v4 =	vld [tilespmem:s0+$0x0];
	_ =	sdelay $0x4  }
0x12c: {  	(xrf0) =	vadd.scan.msk.s32 $0xffff, v4;
	_ =	sdelay $0x2  }
0x12d: {  	v5, _, _ =	vpop (xrf0)  }
0x12e: {  	(v2sf) =	vpush v5, $0xF  }
0x12f: {  	v4, _, _ =	vpop (xrf0)  }
0x130: {  	s20 =	simm.s32 $0x8660;
	(v2sf) =	vpush v4, $0xF;
	v4, _, _ =	vpop (xrf0)  }
0x131: {  	(v2sf) =	vpush v4, $0xF;
	v4 =	vld [tilespmem:s20+$0x0]  }
0x132: {  	s21 =	simm.s32 $0x8650  }
0x133: {  	v5 =	vld [tilespmem:s21+$0x0];
	_ =	sdelay $0x2  }
0x134: {  	(xrf0) =	vadd.scan.msk.s32 $0xffff, v4;
	_ =	sdelay $0x1  }
0x135: {  	(xrf0) =	vadd.scan.msk.s32 $0xffff, v5;
	_ =	sdelay $0x2  }
0x136: {  	s22 =	simm.s32 $0x8640  }
0x137: {  	v6 =	vld [tilespmem:s22+$0x0];
	v5, _, _ =	vpop (xrf0)  }
0x138: {  	s23 =	spop (v2sf);
	(v2sf) =	vpush v5, $0xF  }
0x139: {  	v5, _, _ =	vpop (xrf0)  }
0x13a: {  	s16 =	spop (v2sf);
	(v2sf) =	vpush v5, $0xF;
	_ =	sdelay $0x1  }
0x13b: {  	s24 =	simm.s32 $0x8630;
	(xrf0) =	vadd.scan.msk.s32 $0xffff, v6  }
0x13c: {  	s29 =	simm.s32 $0x1F;
	s26 =	simm.s32 $0x1E;
	s30 =	simm.s32 $0x1A;
	v4 =	vld [tilespmem:s24+$0x0]  }
0x13d: {  	s31 =	simm.s32 $0x8620;
	p2 =	por $0x1, $0x1;
	s28 =	simm.s32 $0x0  }
0x13e: {  	s22 =	simm.s32 $0x1B;
	s24 =	simm.s32 $0x1C;
	s16 =	sadd.s32 s18, s16  }
0x13f: {  	s18 =	simm.s32 $0x0;
	s16 =	ssub.s32 s16, s23;
	s25 =	spop (v2sf)  }
0x140: {  	s23 =	simm.s32 $0x1D;
	s20 =	ssub.s32 s17, s16;
	s21 =	sadd.s32 $0x0, s25  }
0x141: {  	(xrf0) =	vadd.scan.msk.s32 $0xffff, v4;
	v4, _, _ =	vpop (xrf0);
	s17 =	simm.s32 $0x0;
	s25 =	simm.s32 $0x0;
	p0 =	sge.s32 s21, s20  }
.LBB2_16:
0x142: {  	p1 =	sne.s32 s30, $0x0;
	p2 =	por !p2, !p0;
	s0 =	smov.u32 s22  }
0x143: {  	v5 =	vld [tilespmem:s31+$0x0];
	(v2sf) =	vpush v4, $0xF;
	s22 =	smov.u32 s30;
	s30 =	sadd.s32 $0xFFFFFFFF, s30;
	s1 =	smov.u32 s25  }
.Ltmp9:
0x144: {  	s25 =	smov.u32 s21;
	p2 =	por !p2, !p2;
	(pc) =	sbr.rel @p1 .LBB2_16-.Ltmp9, $4  }
0x145: {  	s18 =	smov.u32 @p2 s29;
	s17 =	smov.u32 @p2 s1;
	s29 =	smov.u32 s26  }
0x146: {  	s26 =	smov.u32 s23;
	s23 =	smov.u32 s24;
	s1 =	spop (v2sf)  }
0x147: {  	s28 =	simm.s32 @p0 $0x1;
	s24 =	smov.u32 s0;
	s21 =	sadd.s32 s21, s1  }
0x148: {  	s31 =	sadd.s32 $0xFFFFFFF0, s31;
	p2 =	seq.s32 s28, $0x0;
	(xrf0) =	vadd.scan.msk.s32 $0xffff, v5;
	v4, _, _ =	vpop (xrf0);
	p0 =	sge.s32 s21, s20  }
0x149: {  	_ =	sdelay $0x3  }
0x14a: {  	(v2sf) =	vpush v4, $0xF  }
0x14b: {  	v4, _, _ =	vpop (xrf0)  }
0x14c: {  	(v2sf) =	vpush v4, $0xF;
	_ =	sdelay $0x7  }
0x14d: {  	p1 =	por !p2, !p0;
	s0 =	spop (v2sf)  }
0x14e: {  	s28 =	simm.s32 @p0 $0x1;
	p1 =	por !p1, !p1;
	s0 =	sadd.s32 s21, s0  }
0x14f: {  	p0 =	seq.s32 s28, $0x0;
	s18 =	smov.u32 @p1 s29;
	p2 =	sge.s32 s0, s20  }
0x150: {  	p0 =	por !p0, !p2;
	s28 =	simm.s32 @p2 $0x1;
	s1 =	spop (v2sf)  }
0x151: {  	p2 =	seq.s32 s28, $0x0;
	p0 =	por !p0, !p0;
	s1 =	sadd.s32 s0, s1  }
0x152: {  	s18 =	smov.u32 @p0 s26;
	p3 =	sge.s32 s1, s20;
	s30 =	spop (v2sf)  }
0x153: {  	s28 =	simm.s32 @p3 $0x1;
	p2 =	por !p2, !p3;
	s29 =	sadd.s32 s1, s30  }
0x154: {  	p4 =	seq.s32 s28, $0x0;
	p5 =	sge.s32 s29, s20;
	s31 =	spop (v2sf)  }
0x155: {  	p2 =	por !p2, !p2;
	s28 =	simm.s32 @p5 $0x1;
	s26 =	sadd.s32 s29, s31  }
0x156: {  	p4 =	por !p4, !p5;
	p6 =	seq.s32 s28, $0x0;
	p3 =	sge.s32 s26, s20  }
0x157: {  	s18 =	smov.u32 @p2 s23;
	p4 =	por !p4, !p4;
	p3 =	por !p6, !p3  }
0x158: {  	s18 =	smov.u32 @p4 s24;
	p3 =	por !p3, !p3  }
0x159: {  	s18 =	smov.u32 @p3 s22  }
0x15a: {  	s22 =	sshll.u32 s18, $0x4  }
0x15b: {  	v4 =	vld [tilespmem:s22+$0x8480];
	_ =	sdelay $0x4  }
0x15c: {  	v7 =	vperm.xlane v4, v3;
	_ =	sdelay $0x1  }
0x15d: {  	(xrf0) =	vadd.scan.msk.s32 $0xffff, v7;
	_ =	sdelay $0x1  }
0x15e: {  	s17 =	smov.u32 @p1 s25  }
0x15f: {  	s17 =	smov.u32 @p0 s21  }
0x160: {  	s17 =	smov.u32 @p2 s0  }
0x161: {  	s17 =	smov.u32 @p4 s1  }
0x162: {  	s17 =	smov.u32 @p3 s29;
	v8, _, _ =	vpop (xrf0)  }
0x163: {  	v4 =	vadd.s32 s17, v8  }
0x164: {  	vm0 =	vge.s32 v4, s20  }
0x165: {  	v4 =	vmctz.xlane vm0;
	_ =	sdelay $0x1  }
0x166: {  	v4 =	vxor.u32 $0x80000000, v4  }
0x167: {  	(xrf0) =	vmax.scan.msk.u32 $0xffff, v4;
	_ =	sdelay $0x5  }
0x168: {  	v4, _, _ =	vpop (xrf0)  }
0x169: {  	(v2sf) =	vpush v4, $0xF;
	_ =	sdelay $0xb  }
0x16a: {  	s25 =	simm.s32 $0x0  }
0x16b: {  	v6 =	vld [tilespmem:s25+$0x10]  }
0x16c: {  	v9 =	vld [tilespmem:s25+$0x0]  }
0x16d: {  	v5 =	vld [tilespmem:s25+$0x4210];
	s26 =	spop (v2sf)  }
0x16e: {  	v11 =	vld [tilespmem:s25+$0x4200];
	s28 =	sshllo.u32 s18, $0x4;
	s20 =	sxor.u32 $0x80000000, s26  }
0x16f: {  	v10 =	vimm.f32 $0.0e+00;
	s29 =	sshll.u32 s19, $0x9;
	s1 =	ssub.s32 s28, s20  }
0x170: {  	v13 =	vimm.s32 $0x0;
	v16 =	vimm.s32 $0x0;
	vm1 =	vge.s32 v6, $0x0;
	s30 =	sor.u32 s29, s1  }
0x171: {  	vm3 =	vge.s32 v9, $0x0;
	vm5 =	vlt.s32 v9, $0x0;
	s31 =	simm.s32 $0x20;
	v4 =	vmov s30  }
0x172: {  	v9 =	vld [tilespmem:s31+$0x4210];
	vm0 =	vlt.s32 v6, $0x0;
	vm2 =	vgt.s32 v5, v4;
	vm4 =	veq.s32 v5, v4  }
0x173: {  	v12 =	vld [tilespmem:s31+$0x0];
	vm6 =	vgt.s32 v11, v4;
	vm7 =	veq.s32 v11, v4;
	v15 =	vsel vm4, $0x1, v1  }
0x174: {  	v6 =	vld [tilespmem:s31+$0x10];
	vm5 =	vmor vm5, vm6;
	v17 =	vsel vm7, $0x1, v1;
	vm0 =	vmor vm0, vm2  }
0x175: {  	s18 =	simm.s32 $0x100;
	vm2 =	vmand vm7, vm3;
	vm1 =	vmand vm4, vm1;
	v14 =	vnsel vm5, $0x0, v11;
	v11 =	vld [tilespmem:s31+$0x4200]  }
.LBB2_18:
0x176: {  	p0 =	sne.s32 s18, $0x10600;
	v10 =	vadd.f32 v14, v10;
	v14 =	vsel vm2, $0x1, v1;
	v18 =	vnsel vm0, $0x0, v5  }
0x177: {  	v13 =	vadd.s32 v17, v13;
	v14 =	vadd.s32 v14, v16;
	v16 =	vsel vm1, $0x1, v1  }
0x178: {  	v13 =	vadd.s32 v15, v13;
	v10 =	vadd.f32 v18, v10;
	v16 =	vadd.s32 v16, v14;
	v5 =	vmovc v9  }
.Ltmp10:
0x179: {  	s0 =	sshra.s32 s18, $0x2;
	vm1 =	vge.s32 v6, $0x0;
	vm0 =	vlt.s32 v6, $0x0;
	vm2 =	vgt.s32 v5, v4;
	(pc) =	sbr.rel @p0 .LBB2_18-.Ltmp10, $4  }
0x17a: {  	vm3 =	vge.s32 v12, $0x0;
	vm5 =	veq.s32 v5, v4;
	v6 =	vld [tilespmem:s0+$0x10];
	vm4 =	veq.s32 v11, v4  }
0x17b: {  	vm6 =	vlt.s32 v12, $0x0;
	vm7 =	vgt.s32 v11, v4;
	v15 =	vsel vm5, $0x1, v1;
	v9 =	vld [tilespmem:s0+$0x4210]  }
0x17c: {  	vm0 =	vmor vm0, vm2;
	vm6 =	vmor vm6, vm7;
	v17 =	vsel vm4, $0x1, v1;
	v12 =	vld [tilespmem:s0+$0x0]  }
0x17d: {  	s18 =	sadd.s32 $0x80, s18;
	vm1 =	vmand vm5, vm1;
	vm2 =	vmand vm4, vm3;
	v14 =	vnsel vm6, $0x0, v11;
	v11 =	vld [tilespmem:s0+$0x4200]  }
0x17e: {  	v18 =	vsel vm2, $0x1, v1;
	v13 =	vadd.s32 v17, v13  }
0x17f: {  	v56 =	vmov s20;
	v57 =	vsel vm1, $0x1, v1;
	v16 =	vadd.s32 v18, v16  }
0x180: {  	vm8 =	veq.s32 v56, v0;
	v13 =	vadd.s32 v15, v13;
	vm9 =	vge.s32 v6, $0x0  }
0x181: {  	v58 =	vadd.s32 v57, v16;
	v7 =	vnsel vm8, $0x0, v7;
	vm4 =	veq.s32 v9, v4  }
0x182: {  	(xrf0) =	vadd.scan.msk.s32 $0xffff, v7;
	v7 =	vnsel vm8, $0x0, v8;
	vm10 =	vge.s32 v12, $0x0;
	vm3 =	veq.s32 v11, v4  }
0x183: {  	vm1 =	vmand vm4, vm9;
	(xrf0) =	vadd.scan.msk.s32 $0xffff, v7;
	v59 =	vsel vm3, $0x1, v1;
	vm2 =	vmand vm3, vm10  }
0x184: {  	v7 =	vsel vm4, $0x1, v1;
	v8 =	vadd.s32 v59, v13;
	v60 =	vsel vm2, $0x1, v1  }
0x185: {  	v62 =	vsel vm1, $0x1, v1;
	v7 =	vadd.s32 v7, v8;
	v61 =	vadd.s32 v60, v58  }
0x186: {  	(xrf0) =	vadd.scan.msk.s32 $0xffff, v7;
	v7 =	vadd.s32 v62, v61;
	_ =	sdelay $0x1  }
0x187: {  	v63, _, _ =	vpop (xrf0)  }
0x188: {  	(xrf0) =	vadd.scan.msk.s32 $0xffff, v7;
	(v2sf) =	vpush v63, $0xF;
	v7, _, _ =	vpop (xrf0)  }
0x189: {  	(v2sf) =	vpush v7, $0xF;
	_ =	sdelay $0x1  }
0x18a: {  	v7, _, _ =	vpop (xrf0)  }
0x18b: {  	(v2sf) =	vpush v7, $0xF;
	_ =	sdelay $0x4  }
0x18c: {  	v7, _, _ =	vpop (xrf0)  }
0x18d: {  	(v2sf) =	vpush v7, $0xF;
	_ =	sdelay $0x4  }
0x18e: {  	s1 =	sadd.s32 s16, s15;
	s0 =	spop (v2sf)  }
0x18f: {  	s1 =	sadd.s32 s17, s1;
	s30 =	spop (v2sf)  }
0x190: {  	s1 =	sadd.s32 s30, s1  }
0x191: {  	s1 =	ssub.s32 s14, s1  }
0x192: {  	v7 =	vadd.f32 v14, v10;
	s31 =	spop (v2sf);
	s14 =	sadd.s32 s0, s1  }
0x193: {  	v5 =	vnsel vm0, $0x0, v5;
	vm11 =	vlt.s32 v12, $0x0;
	vm12 =	vgt.s32 v11, v4;
	p0 =	seq.s32 s14, s31  }
.Ltmp11:
0x194: {  	vm0 =	vmor vm11, vm12;
	v5 =	vadd.f32 v5, v7;
	(pc) =	sbr.rel @p0 .LBB2_23-.Ltmp11, $4  }
0x195: {  	vm13 =	vlt.s32 v6, $0x0;
	vm14 =	vgt.s32 v9, v4;
	v6 =	vnsel vm0, $0x0, v11  }
0x196: {  	vm15 =	vmor vm13, vm14;
	v5 =	vadd.f32 v6, v5  }
0x197: {  	v6 =	vnsel vm15, $0x0, v9  }
0x198: {  	v5 =	vadd.f32 v6, v5;
	s15 =	spop (v2sf)  }
0x199: {  	s0 =	simm.s32 $0x0  }
0x19a: {  	v6 =	vld [tilespmem:s0+$0x4200];
	_ =	sdelay $0x3  }
0x19b: {  	s1 =	simm.s32 $0x10  }
0x19c: {  	vm1 =	veq.s32 v6, v4;
	v6 =	vld [tilespmem:s1+$0x4200];
	_ =	sdelay $0x1  }
0x19d: {  	v7 =	vsel vm1, $0x1, v1  }
0x19e: {  	(xrf0) =	vadd.scan.msk.s32 $0xffff, v7  }
0x19f: {  	s15 =	simm.s32 $0x20  }
0x1a0: {  	vm2 =	veq.s32 v6, v4;
	v6 =	vld [tilespmem:s15+$0x4200]  }
0x1a1: {  	v7 =	vsel vm2, $0x1, v1;
	_ =	sdelay $0x1  }
0x1a2: {  	(xrf0) =	vadd.scan.msk.s32 $0xffff, v7  }
0x1a3: {  	s16 =	simm.s32 $0x30;
	v7, _, _ =	vpop (xrf0)  }
0x1a4: {  	(v2sf) =	vpush v7, $0xF;
	vm3 =	veq.s32 v6, v4;
	v6 =	vld [tilespmem:s16+$0x4200]  }
0x1a5: {  	v8 =	vsel vm3, $0x1, v1;
	_ =	sdelay $0x1  }
0x1a6: {  	s17 =	simm.s32 $0x40;
	v9 =	vld [tilespmem:s0+$0x0];
	(xrf0) =	vadd.scan.msk.s32 $0xffff, v8  }
0x1a7: {  	v10 =	vld [tilespmem:s17+$0x4200];
	v12 =	vsel vm1, $0xFFFFFFFF, v1;
	v8, _, _ =	vpop (xrf0)  }
0x1a8: {  	(v2sf) =	vpush v8, $0xF;
	vm0 =	veq.s32 v6, v4;
	v6 =	vmov s14;
	s14 =	simm.s32 $0x0  }
0x1a9: {  	v11 =	vsel vm0, $0x1, v1;
	v12 =	vadd.s32 s14, v12  }
0x1aa: {  	(xrf0) =	vadd.scan.msk.s32 $0xffff, v11;
	v7 =	vadd.s32 v7, v12  }
0x1ab: {  	vm4 =	vgt.s32 v9, $0xFFFFFFFF;
	vm5 =	vlt.s32 v7, v6  }
0x1ac: {  	v13, _, _ =	vpop (xrf0);
	vm4 =	vmand vm4, vm5;
	vm5 =	veq.s32 v10, v4  }
0x1ad: {  	(v2sf) =	vpush v13, $0xF;
	v9 =	vsel vm5, $0x1, v1;
	_ =	sdelay $0x1  }
0x1ae: {  	vm1 =	vmmov vm1  }
0x1af: {  	vm1 =	vmmov vm1;
	(xrf0) =	vadd.scan.msk.s32 $0xffff, v9;
	v9, _, _ =	vpop (xrf0)  }
0x1b0: {  	vm1 =	vmmov vm1;
	(v2sf) =	vpush v9, $0xF  }
0x1b1: {  	s18 =	simm.s32 $0x50;
	vm1 =	vmmov vm1;
	v11 =	vsel vm2, $0xFFFFFFFF, v1;
	vm2 =	vmmov vm2;
	v7 =	vld [tilespmem:s1+$0x0];
	s28 =	spop (v2sf)  }
0x1b2: {  	v14 =	vld [tilespmem:s18+$0x4200];
	v12 =	vsel vm3, $0xFFFFFFFF, v1;
	vm3 =	vmmov vm3;
	vm1 =	vmand vm1, vm4;
	s0 =	sadd.s32 $0x0, s28  }
0x1b3: {  	vm2 =	vmmov vm2;
	v16 =	vsel vm1, $0x1, v1;
	v11 =	vadd.s32 s0, v11  }
0x1b4: {  	vm3 =	vmmov vm3;
	v10 =	vsel vm0, $0xFFFFFFFF, v1;
	(xrf0) =	vadd.scan.msk.s32 $0xffff, v16;
	v8 =	vadd.s32 v8, v11  }
0x1b5: {  	vm2 =	vmmov vm2;
	vm0 =	vmmov vm0;
	vm4 =	vlt.s32 v8, v6;
	v8 =	vld [tilespmem:s15+$0x0];
	s15 =	simm.s32 $0x60  }
0x1b6: {  	vm2 =	vmmov vm2;
	vm1 =	vmmov vm3;
	vm3 =	vgt.s32 v7, $0xFFFFFFFF;
	s29 =	spop (v2sf);
	v11 =	vld [tilespmem:s15+$0x4200]  }
0x1b7: {  	v15 =	vsel vm5, $0xFFFFFFFF, v1;
	vm3 =	vmand vm3, vm4;
	vm4 =	veq.s32 v14, v4;
	s0 =	sadd.s32 s0, s29  }
0x1b8: {  	vm2 =	vmand vm2, vm3;
	v60 =	vsel vm4, $0x1, v1;
	v12 =	vadd.s32 s0, v12  }
0x1b9: {  	vm0 =	vmmov vm0;
	v14, _, _ =	vpop (xrf0);
	(xrf0) =	vadd.scan.msk.s32 $0xffff, v60;
	v61 =	vsel vm2, $0x1, v1;
	v12 =	vadd.s32 v13, v12  }
0x1ba: {  	(v2sf) =	vpush v14, $0xF;
	(xrf0) =	vadd.scan.msk.s32 $0xffff, v61;
	vm2 =	vgt.s32 v8, $0xFFFFFFFF;
	vm3 =	vlt.s32 v12, v6;
	v8, _, _ =	vpop (xrf0)  }
0x1bb: {  	v12 =	vld [tilespmem:s16+$0x0];
	s30 =	spop (v2sf);
	vm2 =	vmand vm2, vm3;
	(v2sf) =	vpush v8, $0xF;
	vm3 =	veq.s32 v11, v4  }
0x1bc: {  	vm5 =	vmmov vm5;
	vm1 =	vmmov vm1;
	s0 =	sadd.s32 s0, s30;
	v11 =	vsel vm3, $0x1, v1  }
0x1bd: {  	vm5 =	vmmov vm5;
	s16 =	simm.s32 $0x70;
	vm1 =	vmand vm1, vm2;
	v10 =	vadd.s32 s0, v10  }
0x1be: {  	v7 =	vsel vm4, $0xFFFFFFFF, v1;
	vm4 =	vmmov vm4;
	v13 =	vld [tilespmem:s16+$0x4200];
	v62 =	vsel vm1, $0x1, v1;
	(xrf0) =	vadd.scan.msk.s32 $0xffff, v11  }
0x1bf: {  	vm0 =	vmmov vm0;
	vm2 =	vmmov vm4;
	vm1 =	vmmov vm5;
	v11, _, _ =	vpop (xrf0);
	(xrf0) =	vadd.scan.msk.s32 $0xffff, v62;
	s31 =	spop (v2sf)  }
0x1c0: {  	v9 =	vadd.s32 v9, v10;
	vm4 =	vgt.s32 v12, $0xFFFFFFFF;
	v12 =	vld [tilespmem:s17+$0x0];
	(v2sf) =	vpush v11, $0xF;
	v10, _, _ =	vpop (xrf0);
	s19 =	sadd.s32 s0, s31  }
0x1c1: {  	vm5 =	vlt.s32 v9, v6;
	(v2sf) =	vpush v10, $0xF;
	v10 =	vadd.s32 s19, v15  }
0x1c2: {  	vm0 =	vmmov vm0;
	v8 =	vsel vm3, $0xFFFFFFFF, v1;
	vm4 =	vmand vm4, vm5  }
0x1c3: {  	vm3 =	vmmov vm3;
	s17 =	simm.s32 $0x80;
	vm5 =	veq.s32 v13, v4;
	vm0 =	vmand vm0, vm4  }
0x1c4: {  	v13 =	vld [tilespmem:s17+$0x4200];
	v63 =	vsel vm5, $0x1, v1;
	v17 =	vsel vm0, $0x1, v1;
	v14 =	vadd.s32 v14, v10;
	v10, _, _ =	vpop (xrf0)  }
0x1c5: {  	vm0 =	vmmov vm3;
	vm3 =	vgt.s32 v12, $0xFFFFFFFF;
	(v2sf) =	vpush v10, $0xF;
	v12, _, _ =	vpop (xrf0)  }
0x1c6: {  	(xrf0) =	vadd.scan.msk.s32 $0xffff, v63;
	(v2sf) =	vpush v12, $0xF  }
0x1c7: {  	vm2 =	vmmov vm2;
	vm4 =	vmmov vm1;
	vm6 =	vlt.s32 v14, v6;
	(xrf0) =	vadd.scan.msk.s32 $0xffff, v17  }
0x1c8: {  	v9 =	vsel vm5, $0xFFFFFFFF, v1;
	vm1 =	vmmov vm5;
	vm5 =	vmand vm3, vm6  }
0x1c9: {  	s20 =	simm.s32 $0x280;
	vm2 =	vmmov vm2;
	vm3 =	veq.s32 v13, v4;
	v12 =	vld [tilespmem:s18+$0x0];
	s18 =	simm.s32 $0x90;
	vm5 =	vmand vm4, vm5;
	s21 =	spop (v2sf)  }
.LBB2_21:
0x1ca: {  	v14 =	vsel vm3, $0xFFFFFFFF, v1;
	v17 =	vsel vm3, $0x1, v1;
	v18 =	vsel vm5, $0x1, v1;
	s19 =	sadd.s32 s19, s21;
	s0 =	spop (v2sf)  }
0x1cb: {  	v13 =	vld [tilespmem:s18+$0x4200];
	vm4 =	vmmov vm0;
	vm0 =	vmmov vm1;
	vm1 =	vmmov vm3;
	s1 =	smov.u32 s20;
	s22 =	sadd.s32 $0x40, s20;
	p0 =	sne.s32 s20, $0x10640  }
.Ltmp12:
0x1cc: {  	(xrf0) =	vadd.scan.msk.s32 $0xffff, v17;
	v15, _, _ =	vpop (xrf0);
	v17 =	vadd.s32 s19, v7;
	s14 =	sadd.s32 s14, s0;
	v7 =	vmov v8;
	v8 =	vmov v9;
	(pc) =	sbr.rel @p0 .LBB2_21-.Ltmp12, $4  }
0x1cd: {  	v9 =	vmov v14;
	(v2sf) =	vpush v15, $0xF;
	v17 =	vadd.s32 v11, v17;
	(xrf0) =	vadd.scan.msk.s32 $0xffff, v18;
	v16, _, _ =	vpop (xrf0)  }
0x1ce: {  	vm3 =	vgt.s32 v12, $0xFFFFFFFF;
	v11 =	vmovc v10;
	v10 =	vmovc v15;
	vm5 =	vlt.s32 v17, v6;
	(v2sf) =	vpush v16, $0xF  }
0x1cf: {  	v12 =	vld [tilespmem:s15+$0x0];
	vm5 =	vmand vm3, vm5;
	s15 =	smov.u32 s16;
	s16 =	smov.u32 s17;
	s17 =	smov.u32 s18  }
0x1d0: {  	s20 =	smov.u32 s22;
	s18 =	sshra.s32 s1, $0x2;
	vm3 =	veq.s32 v13, v4;
	vm5 =	vmand vm2, vm5;
	s21 =	spop (v2sf);
	vm2 =	vmmov vm4  }
.Ltmp13:
0x1d1: {  	_ = 	snop;
	(pc) =	sbr.rel .LBB2_22-.Ltmp13, $1  }
0x1d2: {  	_ =	sdelay $0x3  }
.LBB2_24:
0x1d3: {  	_ =	sfence.sel $0x180000  }
0x1d4: {  	[bflag:$0x0] =	sbarrier.arrive $0xFFFF  }
0x1d5: {  	_ =	strace $0x90000047  }
0x1d6: {  	s0 =	stileid.u32;
	[bflag:$0x2] =	sbarrier.arrive $0xFFFF  }
0x1d7: {  	p0 =	sne.s32 s0, $0x0;
	s0 =	rddreg [dreg:$0x1]  }
0x1d8: {  	s0 =	sadd.s32 @!p0 $0x100000, s0  }
0x1d9: {  	[sflag:s0] =	ssyncadd.tile.s32 @!p0 $0x1;
	_ =	shalt  }
.Lfunc_end2:
_tile_overlayer_lowered:
.L_overlay_start_2:
0x1da: {  	(tag) =	ssettag $0x2  }
0x1db: {  	s0 =	rddreg [dreg:$0x0];
	s2 =	stileid.u32  }
0x1dc: {  	s1 =	rddreg [dreg:$0x1];
	p0 =	sne.s32 s2, $0x0  }
0x1dd: {  	s3 =	rddreg [dreg:$0x2];
	[bflag:$0x3] =	sbarrier.arrive $0xFFFF;
	s2 =	simm.s32 @!p0 $0x1C01  }
0x1de: {  	[timem:s3], [sflag:s2] =	dma.local @!p0 [hbm:s0], s1  }
0x1df: {  	s0 =	simm.s32 @!p0 $0x1  }
0x1e0: {  	_ =	swait.ge @!p0 [sflag:s0], s1  }
0x1e1: {  	s1 =	ssub.s32 @!p0 $0x0, s1;
	[sflag:s0] =	ssyncset.done @!p0 $0x0  }
0x1e2: {  	[sflag:s0] =	ssyncadd.s32 @!p0 s1  }
0x1e3: {  	[bflag:$0x3] =	sbarrier.arrive $0xFFFF  }
0x1e4: {  	_ =	shalt  }

</sc_bundles>
